<compile_context>
chip_gen: v7x
topology: tpu7x:2x2x1
jax: 0.10.2.dev20260603
libtpu: 0.0.44.dev20260713+nightly
codegen_flags: <defaults>
</compile_context>

<pallas_src>
import functools

import jax
import jax.numpy as jnp
from jax import lax
from jax.experimental import pallas as pl
from jax.experimental.pallas import tpu as pltpu
from jax.experimental.pallas import tpu_sc as plsc

B, N, D = 2, 2048, 768
K = 4
C1 = 256
TN = 256
NB = N // TN
HI = jax.lax.Precision.HIGHEST


T2 = 512
NB2 = N // T2


def _kA_body(x_ref, pos_ref, w1_ref, u_ref, v_ref, idx_ref, h_scr, xx_scr):
    p = pl.program_id(0)
    b = pl.program_id(1)
    nb = pl.program_id(2)

    @pl.when(p == 0)
    def _():
        h = x_ref[0] + pos_ref[0]
        h_scr[b, pl.ds(nb * T2, T2), :] = h
        w1a = w1_ref[:, :D]
        wd = w1_ref[:, D:] - w1a
        u_ref[0] = lax.dot_general(h, w1a, (((1,), (1,)), ((), ())),
                                   precision=HI,
                                   preferred_element_type=jnp.float32)
        v_ref[0] = lax.dot_general(h, wd, (((1,), (1,)), ((), ())),
                                   precision=HI,
                                   preferred_element_type=jnp.float32)
        xx_scr[b, 0, pl.ds(nb * T2, T2)] = jnp.sum(h * h, axis=1)

    @pl.when(p == 1)
    def _():
        hb = h_scr[b, pl.ds(nb * T2, T2), :]
        hf = h_scr[b]
        s = lax.dot_general(hf, hb, (((1,), (1,)), ((), ())),
                            preferred_element_type=jnp.float32)
        xxf = xx_scr[b, 0, :]
        xxb = xx_scr[b, 0, pl.ds(nb * T2, T2)]
        pd = (-xxb[None, :] + 2.0 * s) - xxf[:, None]
        iota = lax.broadcasted_iota(jnp.int32, (N, T2), 0)
        neg_inf = jnp.float32(float("-inf"))
        colg = lax.broadcasted_iota(jnp.int32, (N, T2), 1) + nb * T2
        pd = jnp.where(iota == colg, neg_inf, pd)
        for k in range(K - 1):
            m = jnp.max(pd, axis=0, keepdims=True)
            cand = jnp.where(pd == m, iota, N)
            sel = jnp.min(cand, axis=0)
            idx_ref[0, k, pl.ds(nb * T2, T2)] = sel + b * N
            if k < K - 2:
                pd = jnp.where(iota == sel[None, :], neg_inf, pd)


def _stageA(x, pos, W1):
    def in_map(p, b, nb):
        return (jnp.where(p == 0, b, B - 1),
                jnp.where(p == 0, nb, NB2 - 1), 0)

    def uv_map(p, b, nb):
        return (jnp.where(p == 0, b, B - 1),
                jnp.where(p == 0, nb, NB2 - 1), 0)

    def idx_map(p, b, nb):
        return (jnp.where(p == 0, 0, b), 0, 0)

    return pl.pallas_call(
        _kA_body,
        grid=(2, B, NB2),
        in_specs=[
            pl.BlockSpec((1, T2, D), in_map),
            pl.BlockSpec((1, T2, D), in_map),
            pl.BlockSpec((C1, 2 * D), lambda p, b, nb: (0, 0)),
        ],
        out_specs=[
            pl.BlockSpec((1, T2, C1), uv_map),
            pl.BlockSpec((1, T2, C1), uv_map),
            pl.BlockSpec((1, K - 1, N), idx_map),
        ],
        out_shape=[
            jax.ShapeDtypeStruct((B, N, C1), jnp.float32),
            jax.ShapeDtypeStruct((B, N, C1), jnp.float32),
            jax.ShapeDtypeStruct((B, K - 1, N), jnp.int32),
        ],
        scratch_shapes=[
            pltpu.VMEM((B, N, D), jnp.float32),
            pltpu.VMEM((B, 1, N), jnp.float32),
        ],
    )(x, pos, W1)


NG = B * (K - 1) * N


def _sc_gather(table, idx):
    info = plsc.get_sparse_core_info()
    nw = info.num_cores * info.num_subcores
    per_w = NG // nw
    CH = 128
    NCH = per_w // CH
    mesh = plsc.VectorSubcoreMesh(core_axis_name="c", subcore_axis_name="s")

    @functools.partial(
        pl.kernel,
        mesh=mesh,
        out_type=jax.ShapeDtypeStruct((NG, C1), jnp.float32),
        scratch_types=[
            [pltpu.VMEM((CH,), jnp.int32)] * NCH,
            [pltpu.VMEM((CH, C1), jnp.float32)] * NCH,
            [pltpu.SemaphoreType.DMA] * NCH,
            [pltpu.SemaphoreType.DMA] * NCH,
        ],
    )
    def gather_k(table_hbm, idx_hbm, out_hbm, idx_vs, rows_vs, sgs, sws):
        wid = lax.axis_index("s") * info.num_cores + lax.axis_index("c")
        base = wid * per_w
        gathers = []
        for c in range(NCH):
            pltpu.sync_copy(idx_hbm.at[pl.ds(base + c * CH, CH)], idx_vs[c])
            gathers.append(
                pltpu.async_copy(table_hbm.at[idx_vs[c]], rows_vs[c], sgs[c]))
        writes = []
        for c in range(NCH):
            gathers[c].wait()
            writes.append(
                pltpu.async_copy(rows_vs[c],
                                 out_hbm.at[pl.ds(base + c * CH, CH)], sws[c]))
        for c in range(NCH):
            writes[c].wait()

    return gather_k(table, idx)


def _k4_body(g_ref, u_ref, v_ref, g1_ref, b1_ref, w2_ref, g2_ref, b2_ref,
             out_ref, ym_scr, z_scr, s1_scr, q1_scr, s2_scr, q2_scr):
    p = pl.program_id(0)
    b = pl.program_id(1)
    nb = pl.program_id(2)
    first = (b == 0) & (nb == 0)

    @pl.when((p == 0) & first)
    def _():
        s1_scr[...] = jnp.zeros_like(s1_scr)
        q1_scr[...] = jnp.zeros_like(q1_scr)
        s2_scr[...] = jnp.zeros_like(s2_scr)
        q2_scr[...] = jnp.zeros_like(q2_scr)

    @pl.when(p == 0)
    def _():
        y = g_ref[0] + v_ref[0][None]
        y0 = u_ref[0] + v_ref[0]
        ym_scr[b, pl.ds(nb * TN, TN), :] = jnp.maximum(jnp.max(y, axis=0), y0)
        s1_scr[0, :] += jnp.sum(y, axis=(0, 1)) + jnp.sum(y0, axis=0)
        q1_scr[0, :] += jnp.sum(y * y, axis=(0, 1)) + jnp.sum(y0 * y0, axis=0)

    @pl.when(p == 1)
    def _():
        cnt = jnp.float32(B * N * K)
        mean = s1_scr[0, :] / cnt
        var = q1_scr[0, :] / cnt - mean * mean
        scale = lax.rsqrt(var + 1e-5) * g1_ref[0]
        shift = b1_ref[0] - mean * scale
        t = ym_scr[b, pl.ds(nb * TN, TN), :] * scale[None, :] + shift[None, :]
        t = jnp.where(t >= 0, t, 0.2 * t)
        z = lax.dot_general(t, w2_ref[...], (((1,), (1,)), ((), ())),
                            precision=HI, preferred_element_type=jnp.float32)
        z_scr[b, pl.ds(nb * TN, TN), :] = z
        s2_scr[0, :] += jnp.sum(z, axis=0)
        q2_scr[0, :] += jnp.sum(z * z, axis=0)

    @pl.when(p == 2)
    def _():
        cnt = jnp.float32(B * N)
        mean = s2_scr[0, :] / cnt
        var = q2_scr[0, :] / cnt - mean * mean
        scale = lax.rsqrt(var + 1e-5) * g2_ref[0]
        shift = b2_ref[0] - mean * scale
        o = z_scr[b, pl.ds(nb * TN, TN), :] * scale[None, :] + shift[None, :]
        out_ref[0] = jnp.where(o >= 0, o, 0.2 * o)


def _stage4(g4, u, v, gamma1, beta1, W2, gamma2, beta2):
    def ph0(p, b, nb):
        return (b * (p == 0), 0, nb * (p == 0), 0)

    def ph0v(p, b, nb):
        return (b * (p == 0), nb * (p == 0), 0)

    return pl.pallas_call(
        _k4_body,
        grid=(3, B, NB),
        in_specs=[
            pl.BlockSpec((1, K - 1, TN, C1), ph0),
            pl.BlockSpec((1, TN, C1), ph0v),
            pl.BlockSpec((1, TN, C1), ph0v),
            pl.BlockSpec((1, C1), lambda p, b, nb: (0, 0)),
            pl.BlockSpec((1, C1), lambda p, b, nb: (0, 0)),
            pl.BlockSpec((D, C1), lambda p, b, nb: (0, 0)),
            pl.BlockSpec((1, D), lambda p, b, nb: (0, 0)),
            pl.BlockSpec((1, D), lambda p, b, nb: (0, 0)),
        ],
        out_specs=pl.BlockSpec(
            (1, TN, D),
            lambda p, b, nb: (b * (p == 2), nb * (p == 2), 0)),
        out_shape=jax.ShapeDtypeStruct((B, N, D), jnp.float32),
        scratch_shapes=[
            pltpu.VMEM((B, N, C1), jnp.float32),
            pltpu.VMEM((B, N, D), jnp.float32),
            pltpu.VMEM((1, C1), jnp.float32),
            pltpu.VMEM((1, C1), jnp.float32),
            pltpu.VMEM((1, D), jnp.float32),
            pltpu.VMEM((1, D), jnp.float32),
        ],
    )(g4, u, v, gamma1, beta1, W2, gamma2, beta2)


def kernel(x, pos, W1, gamma1, beta1, W2, gamma2, beta2):
    u, v, idx = _stageA(x, pos, W1)
    g = _sc_gather(u.reshape(B * N, C1), idx.reshape(NG))
    g4 = g.reshape(B, K - 1, N, C1)
    return _stage4(g4, u, v, gamma1.reshape(1, C1), beta1.reshape(1, C1),
                   W2, gamma2.reshape(1, D), beta2.reshape(1, D))

# --- scband reference (transcript-rebuilt; emitter-appended) ---
"""Pipeline reference for scband-semantic-group-7876970021379 (READ-ONLY COPY).

The authoritative reference and input builder live on the scoring server;
editing this copy changes nothing except your own understanding.
"""

import jax, jax.numpy as jnp
import numpy as np

B, N, D = 2, 2048, 768
K = 4

def _leaky(v):
    return jnp.where(v >= 0, v, 0.2 * v)

def setup_inputs(seed: int = 0) -> dict:
    key = jax.random.key(seed)
    ks = jax.random.split(key, 4)
    x = jax.random.normal(ks[0], (B, N, D), dtype=jnp.float32)
    pos = jax.random.normal(ks[1], (B, N, D), dtype=jnp.float32)
    W1 = jax.random.normal(ks[2], (256, 2 * D), dtype=jnp.float32) * (1.0 / np.sqrt(2 * D))
    gamma1 = jnp.ones((256,), jnp.float32)
    beta1 = jnp.zeros((256,), jnp.float32)
    W2 = jax.random.normal(ks[3], (D, 256), dtype=jnp.float32) * (1.0 / np.sqrt(256))
    gamma2 = jnp.ones((D,), jnp.float32)
    beta2 = jnp.zeros((D,), jnp.float32)
    return {"x": x, "pos": pos, "W1": W1, "gamma1": gamma1, "beta1": beta1,
            "W2": W2, "gamma2": gamma2, "beta2": beta2}

def reference(x, pos, W1, gamma1, beta1, W2, gamma2, beta2):
    k = K
    h = x + pos  # [B, N, D]  (torch then permutes to [B, D, N]; we keep [B, N, D])
    b, n, d = h.shape
    # knn: pairwise_distance[b, i, j] = -||h_i - h_j||^2
    xx = jnp.sum(h * h, axis=2)  # [B, N]
    inner = jnp.matmul(h, jnp.transpose(h, (0, 2, 1)))  # [B, N, N]
    pd = -xx[:, :, None] + 2.0 * inner - xx[:, None, :]
    idx = jax.lax.top_k(pd, k)[1]  # [B, N, k] int32
    # get_graph_feature: gather neighbor features
    feature = jax.vmap(lambda hb, ib: hb[ib])(h, idx)  # [B, N, k, D]
    xc = jnp.broadcast_to(h[:, :, None, :], (b, n, k, d))
    feat = jnp.concatenate([feature - xc, xc], axis=3)  # [B, N, k, 2D]
    # conv1: 1x1 Conv2d(2D -> 256, bias=False) on channels-first [B, 2D, N, k]
    y = jnp.einsum('bnkc,oc->bonk', feat, W1)  # [B, 256, N, k]
    # BatchNorm2d(256), training-mode batch stats (module is freshly constructed)
    mean1 = jnp.mean(y, axis=(0, 2, 3), keepdims=True)
    var1 = jnp.var(y, axis=(0, 2, 3), keepdims=True)
    y = (y - mean1) / jnp.sqrt(var1 + 1e-5)
    y = y * gamma1[None, :, None, None] + beta1[None, :, None, None]
    y = _leaky(y)
    y = jnp.max(y, axis=3)  # max over k -> [B, 256, N]
    # conv2: 1x1 Conv1d(256 -> 768, bias=False)
    z = jnp.einsum('bcn,oc->bon', y, W2)  # [B, 768, N]
    mean2 = jnp.mean(z, axis=(0, 2), keepdims=True)
    var2 = jnp.var(z, axis=(0, 2), keepdims=True)
    z = (z - mean2) / jnp.sqrt(var2 + 1e-5)
    z = z * gamma2[None, :, None] + beta2[None, :, None]
    z = _leaky(z)
    return jnp.transpose(z, (0, 2, 1))  # [B, N, 768]

if __name__ == "__main__":
    import jax
    _d = setup_inputs()
    print(jax.jit(kernel)(*tuple(_d.values())))

</pallas_src>

<mosaic_0001>
#map = affine_map<(d0, d1) -> (0, 0)>
#map1 = affine_map<(d0, d1) -> (0)>
module attributes {stable_mosaic.version = 14 : i64} {
  func.func @gather_k(%arg0: i32, %arg1: i32, %arg2: memref<4096x256xf32, #tpu.memory_space<hbm>>, %arg3: memref<12288xi32, #tpu.memory_space<hbm>>, %arg4: memref<12288x256xf32, #tpu.memory_space<hbm>>, %arg5: memref<128xi32, #tpu.memory_space<vmem>>, %arg6: memref<128xi32, #tpu.memory_space<vmem>>, %arg7: memref<128xi32, #tpu.memory_space<vmem>>, %arg8: memref<128x256xf32, #tpu.memory_space<vmem>>, %arg9: memref<128x256xf32, #tpu.memory_space<vmem>>, %arg10: memref<128x256xf32, #tpu.memory_space<vmem>>, %arg11: memref<!tpu.dma_semaphore, #tpu.memory_space<semaphore_mem>>, %arg12: memref<!tpu.dma_semaphore, #tpu.memory_space<semaphore_mem>>, %arg13: memref<!tpu.dma_semaphore, #tpu.memory_space<semaphore_mem>>, %arg14: memref<!tpu.dma_semaphore, #tpu.memory_space<semaphore_mem>>, %arg15: memref<!tpu.dma_semaphore, #tpu.memory_space<semaphore_mem>>, %arg16: memref<!tpu.dma_semaphore, #tpu.memory_space<semaphore_mem>>) attributes {dimension_semantics = [#tpu.dimension_semantics<core_parallel>, #tpu.dimension_semantics<subcore_parallel>], iteration_bounds = array<i64: 2, 16>, scalar_prefetch = 0 : i64, scratch_operands = 12 : i64, tpu.core_type = #tpu.core_type<sc_vector_subcore>, window_params = [{transform_indices = #map}, {transform_indices = #map1}, {transform_indices = #map}]} {
    %mul3A = arith.constant 2 : i32
    %mul3A_0 = arith.muli %arg1, %mul3A : i32
    %add3A = arith.addi %mul3A_0, %arg0 : i32
    %mul3A_1 = arith.constant 384 : i32
    %mul3A_2 = arith.muli %add3A, %mul3A_1 : i32
    %add3A_3 = arith.constant 0 : i32
    %add3A_4 = arith.addi %mul3A_2, %add3A_3 : i32
    "tpu.region"() ({
      %run_scoped3A = tpu.sem_alloc : memref<!tpu.dma_semaphore, #tpu.memory_space<semaphore_mem>>
      %dma_start3A_55 = tpu.memref_slice %arg3[%add3A_4] : memref<12288xi32, #tpu.memory_space<hbm>> -> memref<128xi32, #tpu.memory_space<hbm>>
      %dma_start3A_56 = tpu.memref_slice %arg3[%add3A_4] : memref<12288xi32, #tpu.memory_space<hbm>> -> memref<128xi32, #tpu.memory_space<hbm>>
      tpu.enqueue_dma source(%dma_start3A_56 : memref<128xi32, #tpu.memory_space<hbm>>) target(%arg5 : memref<128xi32, #tpu.memory_space<vmem>>) target_semaphore(%run_scoped3A : memref<!tpu.dma_semaphore, #tpu.memory_space<semaphore_mem>>)
      %dma_wait3A_57 = tpu.memref_slice %arg3[%add3A_4] : memref<12288xi32, #tpu.memory_space<hbm>> -> memref<128xi32, #tpu.memory_space<hbm>>
      %dma_wait3A_58 = tpu.memref_slice %arg3[%add3A_4] : memref<12288xi32, #tpu.memory_space<hbm>> -> memref<128xi32, #tpu.memory_space<hbm>>
      tpu.wait_dma2 semaphore(%run_scoped3A : memref<!tpu.dma_semaphore, #tpu.memory_space<semaphore_mem>>) src(%dma_wait3A_58 : memref<128xi32, #tpu.memory_space<hbm>>) dst(%arg5 : memref<128xi32, #tpu.memory_space<vmem>>)
      tpu.yield
    }) : () -> ()
    %dma_start3A = arith.constant 0 : i32
    %dma_start3A_5 = arith.constant 0 : i32
    %dma_start3A_6 = tpu.memref_slice %arg2[%dma_start3A, %dma_start3A_5] : memref<4096x256xf32, #tpu.memory_space<hbm>> -> memref<4096x256xf32, #tpu.memory_space<hbm>>
    tpu.enqueue_indirect_dma source(%dma_start3A_6 : memref<4096x256xf32, #tpu.memory_space<hbm>>) target(%arg8 : memref<128x256xf32, #tpu.memory_space<vmem>>) offsets(%arg5 : memref<128xi32, #tpu.memory_space<vmem>>) semaphore(%arg11 : memref<!tpu.dma_semaphore, #tpu.memory_space<semaphore_mem>>)
    %add3A_7 = arith.constant 128 : i32
    %add3A_8 = arith.addi %mul3A_2, %add3A_7 : i32
    "tpu.region"() ({
      %run_scoped3A = tpu.sem_alloc : memref<!tpu.dma_semaphore, #tpu.memory_space<semaphore_mem>>
      %dma_start3A_55 = tpu.memref_slice %arg3[%add3A_8] : memref<12288xi32, #tpu.memory_space<hbm>> -> memref<128xi32, #tpu.memory_space<hbm>>
      %dma_start3A_56 = tpu.memref_slice %arg3[%add3A_8] : memref<12288xi32, #tpu.memory_space<hbm>> -> memref<128xi32, #tpu.memory_space<hbm>>
      tpu.enqueue_dma source(%dma_start3A_56 : memref<128xi32, #tpu.memory_space<hbm>>) target(%arg6 : memref<128xi32, #tpu.memory_space<vmem>>) target_semaphore(%run_scoped3A : memref<!tpu.dma_semaphore, #tpu.memory_space<semaphore_mem>>)
      %dma_wait3A_57 = tpu.memref_slice %arg3[%add3A_8] : memref<12288xi32, #tpu.memory_space<hbm>> -> memref<128xi32, #tpu.memory_space<hbm>>
      %dma_wait3A_58 = tpu.memref_slice %arg3[%add3A_8] : memref<12288xi32, #tpu.memory_space<hbm>> -> memref<128xi32, #tpu.memory_space<hbm>>
      tpu.wait_dma2 semaphore(%run_scoped3A : memref<!tpu.dma_semaphore, #tpu.memory_space<semaphore_mem>>) src(%dma_wait3A_58 : memref<128xi32, #tpu.memory_space<hbm>>) dst(%arg6 : memref<128xi32, #tpu.memory_space<vmem>>)
      tpu.yield
    }) : () -> ()
    %dma_start3A_9 = arith.constant 0 : i32
    %dma_start3A_10 = arith.constant 0 : i32
    %dma_start3A_11 = tpu.memref_slice %arg2[%dma_start3A_9, %dma_start3A_10] : memref<4096x256xf32, #tpu.memory_space<hbm>> -> memref<4096x256xf32, #tpu.memory_space<hbm>>
    tpu.enqueue_indirect_dma source(%dma_start3A_11 : memref<4096x256xf32, #tpu.memory_space<hbm>>) target(%arg9 : memref<128x256xf32, #tpu.memory_space<vmem>>) offsets(%arg6 : memref<128xi32, #tpu.memory_space<vmem>>) semaphore(%arg12 : memref<!tpu.dma_semaphore, #tpu.memory_space<semaphore_mem>>)
    %add3A_12 = arith.constant 256 : i32
    %add3A_13 = arith.addi %mul3A_2, %add3A_12 : i32
    "tpu.region"() ({
      %run_scoped3A = tpu.sem_alloc : memref<!tpu.dma_semaphore, #tpu.memory_space<semaphore_mem>>
      %dma_start3A_55 = tpu.memref_slice %arg3[%add3A_13] : memref<12288xi32, #tpu.memory_space<hbm>> -> memref<128xi32, #tpu.memory_space<hbm>>
      %dma_start3A_56 = tpu.memref_slice %arg3[%add3A_13] : memref<12288xi32, #tpu.memory_space<hbm>> -> memref<128xi32, #tpu.memory_space<hbm>>
      tpu.enqueue_dma source(%dma_start3A_56 : memref<128xi32, #tpu.memory_space<hbm>>) target(%arg7 : memref<128xi32, #tpu.memory_space<vmem>>) target_semaphore(%run_scoped3A : memref<!tpu.dma_semaphore, #tpu.memory_space<semaphore_mem>>)
      %dma_wait3A_57 = tpu.memref_slice %arg3[%add3A_13] : memref<12288xi32, #tpu.memory_space<hbm>> -> memref<128xi32, #tpu.memory_space<hbm>>
      %dma_wait3A_58 = tpu.memref_slice %arg3[%add3A_13] : memref<12288xi32, #tpu.memory_space<hbm>> -> memref<128xi32, #tpu.memory_space<hbm>>
      tpu.wait_dma2 semaphore(%run_scoped3A : memref<!tpu.dma_semaphore, #tpu.memory_space<semaphore_mem>>) src(%dma_wait3A_58 : memref<128xi32, #tpu.memory_space<hbm>>) dst(%arg7 : memref<128xi32, #tpu.memory_space<vmem>>)
      tpu.yield
    }) : () -> ()
    %dma_start3A_14 = arith.constant 0 : i32
    %dma_start3A_15 = arith.constant 0 : i32
    %dma_start3A_16 = tpu.memref_slice %arg2[%dma_start3A_14, %dma_start3A_15] : memref<4096x256xf32, #tpu.memory_space<hbm>> -> memref<4096x256xf32, #tpu.memory_space<hbm>>
    tpu.enqueue_indirect_dma source(%dma_start3A_16 : memref<4096x256xf32, #tpu.memory_space<hbm>>) target(%arg10 : memref<128x256xf32, #tpu.memory_space<vmem>>) offsets(%arg7 : memref<128xi32, #tpu.memory_space<vmem>>) semaphore(%arg13 : memref<!tpu.dma_semaphore, #tpu.memory_space<semaphore_mem>>)
    %dma_wait3A = arith.constant 0 : i32
    %dma_wait3A_17 = arith.constant 0 : i32
    %dma_wait3A_18 = tpu.memref_slice %arg2[%dma_wait3A, %dma_wait3A_17] : memref<4096x256xf32, #tpu.memory_space<hbm>> -> memref<4096x256xf32, #tpu.memory_space<hbm>>
    tpu.wait_indirect_dma semaphore(%arg11 : memref<!tpu.dma_semaphore, #tpu.memory_space<semaphore_mem>>) src(%dma_wait3A_18 : memref<4096x256xf32, #tpu.memory_space<hbm>>) dst(%arg8 : memref<128x256xf32, #tpu.memory_space<vmem>>)
    %add3A_19 = arith.constant 0 : i32
    %add3A_20 = arith.addi %mul3A_2, %add3A_19 : i32
    %dma_start3A_21 = arith.constant 0 : i32
    %dma_start3A_22 = tpu.memref_slice %arg4[%add3A_20, %dma_start3A_21] : memref<12288x256xf32, #tpu.memory_space<hbm>> -> memref<128x256xf32, #tpu.memory_space<hbm>>
    %dma_start3A_23 = arith.constant 0 : i32
    %dma_start3A_24 = tpu.memref_slice %arg4[%add3A_20, %dma_start3A_23] : memref<12288x256xf32, #tpu.memory_space<hbm>> -> memref<128x256xf32, #tpu.memory_space<hbm>>
    tpu.enqueue_dma source(%arg8 : memref<128x256xf32, #tpu.memory_space<vmem>>) target(%dma_start3A_24 : memref<128x256xf32, #tpu.memory_space<hbm>>) target_semaphore(%arg14 : memref<!tpu.dma_semaphore, #tpu.memory_space<semaphore_mem>>)
    %dma_wait3A_25 = arith.constant 0 : i32
    %dma_wait3A_26 = arith.constant 0 : i32
    %dma_wait3A_27 = tpu.memref_slice %arg2[%dma_wait3A_25, %dma_wait3A_26] : memref<4096x256xf32, #tpu.memory_space<hbm>> -> memref<4096x256xf32, #tpu.memory_space<hbm>>
    tpu.wait_indirect_dma semaphore(%arg12 : memref<!tpu.dma_semaphore, #tpu.memory_space<semaphore_mem>>) src(%dma_wait3A_27 : memref<4096x256xf32, #tpu.memory_space<hbm>>) dst(%arg9 : memref<128x256xf32, #tpu.memory_space<vmem>>)
    %add3A_28 = arith.constant 128 : i32
    %add3A_29 = arith.addi %mul3A_2, %add3A_28 : i32
    %dma_start3A_30 = arith.constant 0 : i32
    %dma_start3A_31 = tpu.memref_slice %arg4[%add3A_29, %dma_start3A_30] : memref<12288x256xf32, #tpu.memory_space<hbm>> -> memref<128x256xf32, #tpu.memory_space<hbm>>
    %dma_start3A_32 = arith.constant 0 : i32
    %dma_start3A_33 = tpu.memref_slice %arg4[%add3A_29, %dma_start3A_32] : memref<12288x256xf32, #tpu.memory_space<hbm>> -> memref<128x256xf32, #tpu.memory_space<hbm>>
    tpu.enqueue_dma source(%arg9 : memref<128x256xf32, #tpu.memory_space<vmem>>) target(%dma_start3A_33 : memref<128x256xf32, #tpu.memory_space<hbm>>) target_semaphore(%arg15 : memref<!tpu.dma_semaphore, #tpu.memory_space<semaphore_mem>>)
    %dma_wait3A_34 = arith.constant 0 : i32
    %dma_wait3A_35 = arith.constant 0 : i32
    %dma_wait3A_36 = tpu.memref_slice %arg2[%dma_wait3A_34, %dma_wait3A_35] : memref<4096x256xf32, #tpu.memory_space<hbm>> -> memref<4096x256xf32, #tpu.memory_space<hbm>>
    tpu.wait_indirect_dma semaphore(%arg13 : memref<!tpu.dma_semaphore, #tpu.memory_space<semaphore_mem>>) src(%dma_wait3A_36 : memref<4096x256xf32, #tpu.memory_space<hbm>>) dst(%arg10 : memref<128x256xf32, #tpu.memory_space<vmem>>)
    %add3A_37 = arith.constant 256 : i32
    %add3A_38 = arith.addi %mul3A_2, %add3A_37 : i32
    %dma_start3A_39 = arith.constant 0 : i32
    %dma_start3A_40 = tpu.memref_slice %arg4[%add3A_38, %dma_start3A_39] : memref<12288x256xf32, #tpu.memory_space<hbm>> -> memref<128x256xf32, #tpu.memory_space<hbm>>
    %dma_start3A_41 = arith.constant 0 : i32
    %dma_start3A_42 = tpu.memref_slice %arg4[%add3A_38, %dma_start3A_41] : memref<12288x256xf32, #tpu.memory_space<hbm>> -> memref<128x256xf32, #tpu.memory_space<hbm>>
    tpu.enqueue_dma source(%arg10 : memref<128x256xf32, #tpu.memory_space<vmem>>) target(%dma_start3A_42 : memref<128x256xf32, #tpu.memory_space<hbm>>) target_semaphore(%arg16 : memref<!tpu.dma_semaphore, #tpu.memory_space<semaphore_mem>>)
    %dma_wait3A_43 = arith.constant 0 : i32
    %dma_wait3A_44 = tpu.memref_slice %arg4[%add3A_20, %dma_wait3A_43] : memref<12288x256xf32, #tpu.memory_space<hbm>> -> memref<128x256xf32, #tpu.memory_space<hbm>>
    %dma_wait3A_45 = arith.constant 0 : i32
    %dma_wait3A_46 = tpu.memref_slice %arg4[%add3A_20, %dma_wait3A_45] : memref<12288x256xf32, #tpu.memory_space<hbm>> -> memref<128x256xf32, #tpu.memory_space<hbm>>
    tpu.wait_dma2 semaphore(%arg14 : memref<!tpu.dma_semaphore, #tpu.memory_space<semaphore_mem>>) src(%arg8 : memref<128x256xf32, #tpu.memory_space<vmem>>) dst(%dma_wait3A_46 : memref<128x256xf32, #tpu.memory_space<hbm>>)
    %dma_wait3A_47 = arith.constant 0 : i32
    %dma_wait3A_48 = tpu.memref_slice %arg4[%add3A_29, %dma_wait3A_47] : memref<12288x256xf32, #tpu.memory_space<hbm>> -> memref<128x256xf32, #tpu.memory_space<hbm>>
    %dma_wait3A_49 = arith.constant 0 : i32
    %dma_wait3A_50 = tpu.memref_slice %arg4[%add3A_29, %dma_wait3A_49] : memref<12288x256xf32, #tpu.memory_space<hbm>> -> memref<128x256xf32, #tpu.memory_space<hbm>>
    tpu.wait_dma2 semaphore(%arg15 : memref<!tpu.dma_semaphore, #tpu.memory_space<semaphore_mem>>) src(%arg9 : memref<128x256xf32, #tpu.memory_space<vmem>>) dst(%dma_wait3A_50 : memref<128x256xf32, #tpu.memory_space<hbm>>)
    %dma_wait3A_51 = arith.constant 0 : i32
    %dma_wait3A_52 = tpu.memref_slice %arg4[%add3A_38, %dma_wait3A_51] : memref<12288x256xf32, #tpu.memory_space<hbm>> -> memref<128x256xf32, #tpu.memory_space<hbm>>
    %dma_wait3A_53 = arith.constant 0 : i32
    %dma_wait3A_54 = tpu.memref_slice %arg4[%add3A_38, %dma_wait3A_53] : memref<12288x256xf32, #tpu.memory_space<hbm>> -> memref<128x256xf32, #tpu.memory_space<hbm>>
    tpu.wait_dma2 semaphore(%arg16 : memref<!tpu.dma_semaphore, #tpu.memory_space<semaphore_mem>>) src(%arg10 : memref<128x256xf32, #tpu.memory_space<vmem>>) dst(%dma_wait3A_54 : memref<128x256xf32, #tpu.memory_space<hbm>>)
    return
  }
}

module attributes {stable_mosaic.version = 14 : i64} {
  func.func @_kA_body(%arg0: i32, %arg1: i32, %arg2: i32, %arg3: memref<1x512x768xf32, #tpu.memory_space<vmem>>, %arg4: memref<1x512x768xf32, #tpu.memory_space<vmem>>, %arg5: memref<256x1536xf32, #tpu.memory_space<vmem>>, %arg6: memref<1x512x256xf32, #tpu.memory_space<vmem>>, %arg7: memref<1x512x256xf32, #tpu.memory_space<vmem>>, %arg8: memref<1x3x2048xi32, #tpu.memory_space<vmem>>, %arg9: memref<2x2048x768xf32, #tpu.memory_space<vmem>>, %arg10: memref<2x1x2048xf32, #tpu.memory_space<vmem>>) attributes {dimension_semantics = [#tpu.dimension_semantics<arbitrary>, #tpu.dimension_semantics<arbitrary>, #tpu.dimension_semantics<arbitrary>], iteration_bounds = array<i64: 2, 2, 4>, scalar_prefetch = 0 : i64, scratch_operands = 2 : i64, tpu.core_type = #tpu.core_type<tc>, window_params = [{transform_indices = @transform_0, window_bounds = array<i64: 1, 512, 768>}, {transform_indices = @transform_1, window_bounds = array<i64: 1, 512, 768>}, {pipeline_mode = #tpu.pipeline_mode<synchronous>, transform_indices = @transform_2, window_bounds = array<i64: 256, 1536>}, {transform_indices = @transform_3, window_bounds = array<i64: 1, 512, 256>}, {transform_indices = @transform_4, window_bounds = array<i64: 1, 512, 256>}, {transform_indices = @transform_5, window_bounds = array<i64: 1, 3, 2048>}]} {
    %eq3A = arith.constant 0 : i32
    %eq3A_0 = arith.cmpi eq, %arg0, %eq3A : i32
    %convert_element_type3A = arith.extui %eq3A_0 : i1 to i32
    %cond3A = arith.constant 0 : i32
    %cond3A_1 = arith.cmpi ne, %convert_element_type3A, %cond3A : i32
    scf.if %cond3A_1 {
      %get3A = arith.constant 0 : index
      %get3A_7 = arith.constant 0 : index
      %get3A_8 = arith.constant 0 : index
      %get3A_9 = vector.load %arg3[%get3A, %get3A_7, %get3A_8] : memref<1x512x768xf32, #tpu.memory_space<vmem>>, vector<1x512x768xf32>
      %get3A_10 = vector.shape_cast %get3A_9 : vector<1x512x768xf32> to vector<512x768xf32>
      %get3A_11 = arith.constant 0 : index
      %get3A_12 = arith.constant 0 : index
      %get3A_13 = arith.constant 0 : index
      %get3A_14 = vector.load %arg4[%get3A_11, %get3A_12, %get3A_13] : memref<1x512x768xf32, #tpu.memory_space<vmem>>, vector<1x512x768xf32>
      %get3A_15 = vector.shape_cast %get3A_14 : vector<1x512x768xf32> to vector<512x768xf32>
      %add3A = arith.addf %get3A_10, %get3A_15 : vector<512x768xf32>
      %mul3A = arith.constant 512 : i32
      %mul3A_16 = arith.muli %arg2, %mul3A : i32
      %swap3A = arith.index_cast %arg1 : i32 to index
      %swap3A_17 = arith.index_cast %mul3A_16 : i32 to index
      %swap3A_18 = arith.constant 0 : index
      %swap3A_19 = vector.load %arg9[%swap3A, %swap3A_17, %swap3A_18] : memref<2x2048x768xf32, #tpu.memory_space<vmem>>, vector<1x512x768xf32>
      %swap3A_20 = vector.shape_cast %swap3A_19 : vector<1x512x768xf32> to vector<512x768xf32>
      %swap3A_21 = vector.shape_cast %add3A : vector<512x768xf32> to vector<1x512x768xf32>
      tpu.vector_store %arg9[%swap3A, %swap3A_17, %swap3A_18], %swap3A_21 {strides = array<i32>} : memref<2x2048x768xf32, #tpu.memory_space<vmem>>, vector<1x512x768xf32>,
      %get3A_22 = arith.constant 0 : index
      %get3A_23 = arith.constant 0 : index
      %get3A_24 = vector.load %arg5[%get3A_22, %get3A_23] : memref<256x1536xf32, #tpu.memory_space<vmem>>, vector<256x768xf32>
      %get3A_25 = arith.constant 0 : index
      %get3A_26 = arith.constant 768 : index
      %get3A_27 = vector.load %arg5[%get3A_25, %get3A_26] : memref<256x1536xf32, #tpu.memory_space<vmem>>, vector<256x768xf32>
      %sub3A = arith.subf %get3A_27, %get3A_24 : vector<256x768xf32>
      %dot_general3A = arith.constant dense<0.000000e+00> : vector<512x256xf32>
      %dot_general3A_28 = tpu.matmul %add3A, %get3A_24, %dot_general3A {dimension_numbers = #tpu.dot_dimension_numbers<[1], [1], [0], [0], [0, 0, 1, 0], [], []>, precision = #tpu.contract_precision<fp32>, transpose_lhs_hint = false} : vector<512x768xf32>, vector<256x768xf32>, vector<512x256xf32> -> vector<512x256xf32>
      %swap3A_29 = arith.constant 0 : index
      %swap3A_30 = arith.constant 0 : index
      %swap3A_31 = arith.constant 0 : index
      %swap3A_32 = vector.load %arg6[%swap3A_29, %swap3A_30, %swap3A_31] : memref<1x512x256xf32, #tpu.memory_space<vmem>>, vector<1x512x256xf32>
      %swap3A_33 = vector.shape_cast %swap3A_32 : vector<1x512x256xf32> to vector<512x256xf32>
      %swap3A_34 = vector.shape_cast %dot_general3A_28 : vector<512x256xf32> to vector<1x512x256xf32>
      tpu.vector_store %arg6[%swap3A_29, %swap3A_30, %swap3A_31], %swap3A_34 {strides = array<i32>} : memref<1x512x256xf32, #tpu.memory_space<vmem>>, vector<1x512x256xf32>,
      %dot_general3A_35 = arith.constant dense<0.000000e+00> : vector<512x256xf32>
      %dot_general3A_36 = tpu.matmul %add3A, %sub3A, %dot_general3A_35 {dimension_numbers = #tpu.dot_dimension_numbers<[1], [1], [0], [0], [0, 0, 1, 0], [], []>, precision = #tpu.contract_precision<fp32>, transpose_lhs_hint = false} : vector<512x768xf32>, vector<256x768xf32>, vector<512x256xf32> -> vector<512x256xf32>
      %swap3A_37 = arith.constant 0 : index
      %swap3A_38 = arith.constant 0 : index
      %swap3A_39 = arith.constant 0 : index
      %swap3A_40 = vector.load %arg7[%swap3A_37, %swap3A_38, %swap3A_39] : memref<1x512x256xf32, #tpu.memory_space<vmem>>, vector<1x512x256xf32>
      %swap3A_41 = vector.shape_cast %swap3A_40 : vector<1x512x256xf32> to vector<512x256xf32>
      %swap3A_42 = vector.shape_cast %dot_general3A_36 : vector<512x256xf32> to vector<1x512x256xf32>
      tpu.vector_store %arg7[%swap3A_37, %swap3A_38, %swap3A_39], %swap3A_42 {strides = array<i32>} : memref<1x512x256xf32, #tpu.memory_space<vmem>>, vector<1x512x256xf32>,
      %mul3A_43 = arith.mulf %add3A, %add3A : vector<512x768xf32>
      %reduce_sum3A = arith.constant dense<0.000000e+00> : vector<512xf32>
      %reduce_sum3A_44 = vector.multi_reduction <add>, %mul3A_43, %reduce_sum3A [1] : vector<512x768xf32> to vector<512xf32>
      %mul3A_45 = arith.constant 512 : i32
      %mul3A_46 = arith.muli %arg2, %mul3A_45 : i32
      %swap3A_47 = arith.index_cast %arg1 : i32 to index
      %swap3A_48 = arith.constant 0 : index
      %swap3A_49 = arith.index_cast %mul3A_46 : i32 to index
      %swap3A_50 = vector.load %arg10[%swap3A_47, %swap3A_48, %swap3A_49] : memref<2x1x2048xf32, #tpu.memory_space<vmem>>, vector<1x1x512xf32>
      %swap3A_51 = vector.shape_cast %swap3A_50 : vector<1x1x512xf32> to vector<512xf32>
      %swap3A_52 = vector.shape_cast %reduce_sum3A_44 : vector<512xf32> to vector<1x1x512xf32>
      tpu.vector_store %arg10[%swap3A_47, %swap3A_48, %swap3A_49], %swap3A_52 {strides = array<i32>} : memref<2x1x2048xf32, #tpu.memory_space<vmem>>, vector<1x1x512xf32>,
    } else {
    }
    %eq3A_2 = arith.constant 1 : i32
    %eq3A_3 = arith.cmpi eq, %arg0, %eq3A_2 : i32
    %convert_element_type3A_4 = arith.extui %eq3A_3 : i1 to i32
    %cond3A_5 = arith.constant 0 : i32
    %cond3A_6 = arith.cmpi ne, %convert_element_type3A_4, %cond3A_5 : i32
    scf.if %cond3A_6 {
      %mul3A = arith.constant 512 : i32
      %mul3A_7 = arith.muli %arg2, %mul3A : i32
      %get3A = arith.index_cast %arg1 : i32 to index
      %get3A_8 = arith.index_cast %mul3A_7 : i32 to index
      %get3A_9 = arith.constant 0 : index
      %get3A_10 = vector.load %arg9[%get3A, %get3A_8, %get3A_9] : memref<2x2048x768xf32, #tpu.memory_space<vmem>>, vector<1x512x768xf32>
      %get3A_11 = vector.shape_cast %get3A_10 : vector<1x512x768xf32> to vector<512x768xf32>
      %get3A_12 = arith.index_cast %arg1 : i32 to index
      %get3A_13 = arith.constant 0 : index
      %get3A_14 = arith.constant 0 : index
      %get3A_15 = vector.load %arg9[%get3A_12, %get3A_13, %get3A_14] : memref<2x2048x768xf32, #tpu.memory_space<vmem>>, vector<1x2048x768xf32>
      %get3A_16 = vector.shape_cast %get3A_15 : vector<1x2048x768xf32> to vector<2048x768xf32>
      %dot_general3A = arith.constant dense<0.000000e+00> : vector<2048x512xf32>
      %dot_general3A_17 = tpu.matmul %get3A_16, %get3A_11, %dot_general3A {dimension_numbers = #tpu.dot_dimension_numbers<[1], [1], [0], [0], [0, 0, 1, 0], [], []>, transpose_lhs_hint = false} : vector<2048x768xf32>, vector<512x768xf32>, vector<2048x512xf32> -> vector<2048x512xf32>
      %get3A_18 = arith.index_cast %arg1 : i32 to index
      %get3A_19 = arith.constant 0 : index
      %get3A_20 = arith.constant 0 : index
      %get3A_21 = vector.load %arg10[%get3A_18, %get3A_19, %get3A_20] : memref<2x1x2048xf32, #tpu.memory_space<vmem>>, vector<1x1x2048xf32>
      %get3A_22 = vector.shape_cast %get3A_21 : vector<1x1x2048xf32> to vector<2048xf32>
      %mul3A_23 = arith.constant 512 : i32
      %mul3A_24 = arith.muli %arg2, %mul3A_23 : i32
      %get3A_25 = arith.index_cast %arg1 : i32 to index
      %get3A_26 = arith.constant 0 : index
      %get3A_27 = arith.index_cast %mul3A_24 : i32 to index
      %get3A_28 = vector.load %arg10[%get3A_25, %get3A_26, %get3A_27] : memref<2x1x2048xf32, #tpu.memory_space<vmem>>, vector<1x1x512xf32>
      %get3A_29 = vector.shape_cast %get3A_28 : vector<1x1x512xf32> to vector<512xf32>
      %broadcast_in_dim3A = vector.shape_cast %get3A_29 : vector<512xf32> to vector<1x512xf32>
      %neg3A = arith.constant 0.000000e+00 : f32
      %neg3A_30 = vector.broadcast %neg3A : f32 to vector<1x512xf32>
      %neg3A_31 = arith.subf %neg3A_30, %broadcast_in_dim3A : vector<1x512xf32>
      %mul3A_32 = arith.constant 2.000000e+00 : f32
      %mul3A_33 = vector.broadcast %mul3A_32 : f32 to vector<2048x512xf32>
      %mul3A_34 = arith.mulf %mul3A_33, %dot_general3A_17 : vector<2048x512xf32>
      %add3A = vector.broadcast %neg3A_31 : vector<1x512xf32> to vector<2048x512xf32>
      %add3A_35 = arith.addf %add3A, %mul3A_34 : vector<2048x512xf32>
      %broadcast_in_dim3A_36 = vector.shape_cast %get3A_22 : vector<2048xf32> to vector<2048x1xf32>
      %sub3A = vector.broadcast %broadcast_in_dim3A_36 : vector<2048x1xf32> to vector<2048x512xf32>
      %sub3A_37 = arith.subf %add3A_35, %sub3A : vector<2048x512xf32>
      %iota3A = tpu.iota {dimensions = array<i32: 0>} : vector<2048x512xi32>
      %iota3A_38 = tpu.iota {dimensions = array<i32: 1>} : vector<2048x512xi32>
      %mul3A_39 = arith.constant 512 : i32
      %mul3A_40 = arith.muli %arg2, %mul3A_39 : i32
      %add3A_41 = vector.broadcast %mul3A_40 : i32 to vector<2048x512xi32>
      %add3A_42 = arith.addi %iota3A_38, %add3A_41 : vector<2048x512xi32>
      %eq3A_43 = arith.cmpi eq, %iota3A, %add3A_42 : vector<2048x512xi32>
      %jit3A = arith.constant 0xFF800000 : f32
      %broadcast_in_dim3A_44 = vector.broadcast %jit3A : f32 to vector<2048x512xf32>
      %select_n3A = arith.select %eq3A_43, %broadcast_in_dim3A_44, %sub3A_37 : vector<2048x512xi1>, vector<2048x512xf32>
      %reduce_max3A = arith.constant dense<0xFF800000> : vector<512xf32>
      %reduce_max3A_45 = vector.multi_reduction <maximumf>, %select_n3A, %reduce_max3A [0] : vector<2048x512xf32> to vector<512xf32>
      %broadcast_in_dim3A_46 = vector.shape_cast %reduce_max3A_45 : vector<512xf32> to vector<1x512xf32>
      %eq3A_47 = vector.broadcast %broadcast_in_dim3A_46 : vector<1x512xf32> to vector<2048x512xf32>
      %eq3A_48 = arith.cmpf oeq, %select_n3A, %eq3A_47 : vector<2048x512xf32>
      %jit3A_49 = arith.constant 2048 : i32
      %broadcast_in_dim3A_50 = vector.broadcast %jit3A_49 : i32 to vector<2048x512xi32>
      %select_n3A_51 = arith.select %eq3A_48, %iota3A, %broadcast_in_dim3A_50 : vector<2048x512xi1>, vector<2048x512xi32>
      %reduce_min3A = arith.constant dense<2147483647> : vector<512xi32>
      %reduce_min3A_52 = vector.multi_reduction <minsi>, %select_n3A_51, %reduce_min3A [0] : vector<2048x512xi32> to vector<512xi32>
      %mul3A_53 = arith.constant 2048 : i32
      %mul3A_54 = arith.muli %arg1, %mul3A_53 : i32
      %add3A_55 = vector.broadcast %mul3A_54 : i32 to vector<512xi32>
      %add3A_56 = arith.addi %reduce_min3A_52, %add3A_55 : vector<512xi32>
      %mul3A_57 = arith.constant 512 : i32
      %mul3A_58 = arith.muli %arg2, %mul3A_57 : i32
      %swap3A = arith.constant 0 : index
      %swap3A_59 = arith.constant 0 : index
      %swap3A_60 = arith.index_cast %mul3A_58 : i32 to index
      %swap3A_61 = vector.load %arg8[%swap3A, %swap3A_59, %swap3A_60] : memref<1x3x2048xi32, #tpu.memory_space<vmem>>, vector<1x1x512xi32>
      %swap3A_62 = vector.shape_cast %swap3A_61 : vector<1x1x512xi32> to vector<512xi32>
      %swap3A_63 = vector.shape_cast %add3A_56 : vector<512xi32> to vector<1x1x512xi32>
      tpu.vector_store %arg8[%swap3A, %swap3A_59, %swap3A_60], %swap3A_63 {strides = array<i32>} : memref<1x3x2048xi32, #tpu.memory_space<vmem>>, vector<1x1x512xi32>,
      %broadcast_in_dim3A_64 = vector.shape_cast %reduce_min3A_52 : vector<512xi32> to vector<1x512xi32>
      %eq3A_65 = vector.broadcast %broadcast_in_dim3A_64 : vector<1x512xi32> to vector<2048x512xi32>
      %eq3A_66 = arith.cmpi eq, %iota3A, %eq3A_65 : vector<2048x512xi32>
      %jit3A_67 = arith.constant 0xFF800000 : f32
      %broadcast_in_dim3A_68 = vector.broadcast %jit3A_67 : f32 to vector<2048x512xf32>
      %select_n3A_69 = arith.select %eq3A_66, %broadcast_in_dim3A_68, %select_n3A : vector<2048x512xi1>, vector<2048x512xf32>
      %reduce_max3A_70 = arith.constant dense<0xFF800000> : vector<512xf32>
      %reduce_max3A_71 = vector.multi_reduction <maximumf>, %select_n3A_69, %reduce_max3A_70 [0] : vector<2048x512xf32> to vector<512xf32>
      %broadcast_in_dim3A_72 = vector.shape_cast %reduce_max3A_71 : vector<512xf32> to vector<1x512xf32>
      %eq3A_73 = vector.broadcast %broadcast_in_dim3A_72 : vector<1x512xf32> to vector<2048x512xf32>
      %eq3A_74 = arith.cmpf oeq, %select_n3A_69, %eq3A_73 : vector<2048x512xf32>
      %jit3A_75 = arith.constant 2048 : i32
      %broadcast_in_dim3A_76 = vector.broadcast %jit3A_75 : i32 to vector<2048x512xi32>
      %select_n3A_77 = arith.select %eq3A_74, %iota3A, %broadcast_in_dim3A_76 : vector<2048x512xi1>, vector<2048x512xi32>
      %reduce_min3A_78 = arith.constant dense<2147483647> : vector<512xi32>
      %reduce_min3A_79 = vector.multi_reduction <minsi>, %select_n3A_77, %reduce_min3A_78 [0] : vector<2048x512xi32> to vector<512xi32>
      %mul3A_80 = arith.constant 2048 : i32
      %mul3A_81 = arith.muli %arg1, %mul3A_80 : i32
      %add3A_82 = vector.broadcast %mul3A_81 : i32 to vector<512xi32>
      %add3A_83 = arith.addi %reduce_min3A_79, %add3A_82 : vector<512xi32>
      %mul3A_84 = arith.constant 512 : i32
      %mul3A_85 = arith.muli %arg2, %mul3A_84 : i32
      %swap3A_86 = arith.constant 0 : index
      %swap3A_87 = arith.constant 1 : index
      %swap3A_88 = arith.index_cast %mul3A_85 : i32 to index
      %swap3A_89 = vector.load %arg8[%swap3A_86, %swap3A_87, %swap3A_88] : memref<1x3x2048xi32, #tpu.memory_space<vmem>>, vector<1x1x512xi32>
      %swap3A_90 = vector.shape_cast %swap3A_89 : vector<1x1x512xi32> to vector<512xi32>
      %swap3A_91 = vector.shape_cast %add3A_83 : vector<512xi32> to vector<1x1x512xi32>
      tpu.vector_store %arg8[%swap3A_86, %swap3A_87, %swap3A_88], %swap3A_91 {strides = array<i32>} : memref<1x3x2048xi32, #tpu.memory_space<vmem>>, vector<1x1x512xi32>,
      %broadcast_in_dim3A_92 = vector.shape_cast %reduce_min3A_79 : vector<512xi32> to vector<1x512xi32>
      %eq3A_93 = vector.broadcast %broadcast_in_dim3A_92 : vector<1x512xi32> to vector<2048x512xi32>
      %eq3A_94 = arith.cmpi eq, %iota3A, %eq3A_93 : vector<2048x512xi32>
      %jit3A_95 = arith.constant 0xFF800000 : f32
      %broadcast_in_dim3A_96 = vector.broadcast %jit3A_95 : f32 to vector<2048x512xf32>
      %select_n3A_97 = arith.select %eq3A_94, %broadcast_in_dim3A_96, %select_n3A_69 : vector<2048x512xi1>, vector<2048x512xf32>
      %reduce_max3A_98 = arith.constant dense<0xFF800000> : vector<512xf32>
      %reduce_max3A_99 = vector.multi_reduction <maximumf>, %select_n3A_97, %reduce_max3A_98 [0] : vector<2048x512xf32> to vector<512xf32>
      %broadcast_in_dim3A_100 = vector.shape_cast %reduce_max3A_99 : vector<512xf32> to vector<1x512xf32>
      %eq3A_101 = vector.broadcast %broadcast_in_dim3A_100 : vector<1x512xf32> to vector<2048x512xf32>
      %eq3A_102 = arith.cmpf oeq, %select_n3A_97, %eq3A_101 : vector<2048x512xf32>
      %jit3A_103 = arith.constant 2048 : i32
      %broadcast_in_dim3A_104 = vector.broadcast %jit3A_103 : i32 to vector<2048x512xi32>
      %select_n3A_105 = arith.select %eq3A_102, %iota3A, %broadcast_in_dim3A_104 : vector<2048x512xi1>, vector<2048x512xi32>
      %reduce_min3A_106 = arith.constant dense<2147483647> : vector<512xi32>
      %reduce_min3A_107 = vector.multi_reduction <minsi>, %select_n3A_105, %reduce_min3A_106 [0] : vector<2048x512xi32> to vector<512xi32>
      %mul3A_108 = arith.constant 2048 : i32
      %mul3A_109 = arith.muli %arg1, %mul3A_108 : i32
      %add3A_110 = vector.broadcast %mul3A_109 : i32 to vector<512xi32>
      %add3A_111 = arith.addi %reduce_min3A_107, %add3A_110 : vector<512xi32>
      %mul3A_112 = arith.constant 512 : i32
      %mul3A_113 = arith.muli %arg2, %mul3A_112 : i32
      %swap3A_114 = arith.constant 0 : index
      %swap3A_115 = arith.constant 2 : index
      %swap3A_116 = arith.index_cast %mul3A_113 : i32 to index
      %swap3A_117 = vector.load %arg8[%swap3A_114, %swap3A_115, %swap3A_116] : memref<1x3x2048xi32, #tpu.memory_space<vmem>>, vector<1x1x512xi32>
      %swap3A_118 = vector.shape_cast %swap3A_117 : vector<1x1x512xi32> to vector<512xi32>
      %swap3A_119 = vector.shape_cast %add3A_111 : vector<512xi32> to vector<1x1x512xi32>
      tpu.vector_store %arg8[%swap3A_114, %swap3A_115, %swap3A_116], %swap3A_119 {strides = array<i32>} : memref<1x3x2048xi32, #tpu.memory_space<vmem>>, vector<1x1x512xi32>,
    } else {
    }
    return
  }
  func.func @transform_0(%arg0: i32, %arg1: i32, %arg2: i32) -> (i32, i32, i32) {
    %eq3A = arith.constant 0 : i32
    %eq3A_0 = arith.cmpi eq, %arg0, %eq3A : i32
    %jit3A = arith.constant 1 : i32
    %select_n3A = arith.select %eq3A_0, %arg1, %jit3A : i32
    %eq3A_1 = arith.constant 0 : i32
    %eq3A_2 = arith.cmpi eq, %arg0, %eq3A_1 : i32
    %jit3A_3 = arith.constant 3 : i32
    %select_n3A_4 = arith.select %eq3A_2, %arg2, %jit3A_3 : i32
    %c0_i32 = arith.constant 0 : i32
    %c0_i32_5 = arith.constant 0 : i32
    return %select_n3A, %select_n3A_4, %c0_i32 : i32, i32, i32
  }
  func.func @transform_1(%arg0: i32, %arg1: i32, %arg2: i32) -> (i32, i32, i32) {
    %eq3A = arith.constant 0 : i32
    %eq3A_0 = arith.cmpi eq, %arg0, %eq3A : i32
    %jit3A = arith.constant 1 : i32
    %select_n3A = arith.select %eq3A_0, %arg1, %jit3A : i32
    %eq3A_1 = arith.constant 0 : i32
    %eq3A_2 = arith.cmpi eq, %arg0, %eq3A_1 : i32
    %jit3A_3 = arith.constant 3 : i32
    %select_n3A_4 = arith.select %eq3A_2, %arg2, %jit3A_3 : i32
    %c0_i32 = arith.constant 0 : i32
    %c0_i32_5 = arith.constant 0 : i32
    return %select_n3A, %select_n3A_4, %c0_i32 : i32, i32, i32
  }
  func.func @transform_2(%arg0: i32, %arg1: i32, %arg2: i32) -> (i32, i32) {
    %c0_i32 = arith.constant 0 : i32
    %c0_i32_0 = arith.constant 0 : i32
    %c0_i32_1 = arith.constant 0 : i32
    return %c0_i32, %c0_i32_0 : i32, i32
  }
  func.func @transform_3(%arg0: i32, %arg1: i32, %arg2: i32) -> (i32, i32, i32) {
    %eq3A = arith.constant 0 : i32
    %eq3A_0 = arith.cmpi eq, %arg0, %eq3A : i32
    %jit3A = arith.constant 1 : i32
    %select_n3A = arith.select %eq3A_0, %arg1, %jit3A : i32
    %eq3A_1 = arith.constant 0 : i32
    %eq3A_2 = arith.cmpi eq, %arg0, %eq3A_1 : i32
    %jit3A_3 = arith.constant 3 : i32
    %select_n3A_4 = arith.select %eq3A_2, %arg2, %jit3A_3 : i32
    %c0_i32 = arith.constant 0 : i32
    %c0_i32_5 = arith.constant 0 : i32
    return %select_n3A, %select_n3A_4, %c0_i32 : i32, i32, i32
  }
  func.func @transform_4(%arg0: i32, %arg1: i32, %arg2: i32) -> (i32, i32, i32) {
    %eq3A = arith.constant 0 : i32
    %eq3A_0 = arith.cmpi eq, %arg0, %eq3A : i32
    %jit3A = arith.constant 1 : i32
    %select_n3A = arith.select %eq3A_0, %arg1, %jit3A : i32
    %eq3A_1 = arith.constant 0 : i32
    %eq3A_2 = arith.cmpi eq, %arg0, %eq3A_1 : i32
    %jit3A_3 = arith.constant 3 : i32
    %select_n3A_4 = arith.select %eq3A_2, %arg2, %jit3A_3 : i32
    %c0_i32 = arith.constant 0 : i32
    %c0_i32_5 = arith.constant 0 : i32
    return %select_n3A, %select_n3A_4, %c0_i32 : i32, i32, i32
  }
  func.func @transform_5(%arg0: i32, %arg1: i32, %arg2: i32) -> (i32, i32, i32) {
    %eq3A = arith.constant 0 : i32
    %eq3A_0 = arith.cmpi eq, %arg0, %eq3A : i32
    %jit3A = arith.constant 0 : i32
    %select_n3A = arith.select %eq3A_0, %jit3A, %arg1 : i32
    %c0_i32 = arith.constant 0 : i32
    %c0_i32_1 = arith.constant 0 : i32
    %c0_i32_2 = arith.constant 0 : i32
    return %select_n3A, %c0_i32, %c0_i32_1 : i32, i32, i32
  }
}

module attributes {stable_mosaic.version = 14 : i64} {
  func.func @_k4_body(%arg0: i32, %arg1: i32, %arg2: i32, %arg3: memref<1x3x256x256xf32, #tpu.memory_space<vmem>>, %arg4: memref<1x256x256xf32, #tpu.memory_space<vmem>>, %arg5: memref<1x256x256xf32, #tpu.memory_space<vmem>>, %arg6: memref<1x256xf32, #tpu.memory_space<vmem>>, %arg7: memref<1x256xf32, #tpu.memory_space<vmem>>, %arg8: memref<768x256xf32, #tpu.memory_space<vmem>>, %arg9: memref<1x768xf32, #tpu.memory_space<vmem>>, %arg10: memref<1x768xf32, #tpu.memory_space<vmem>>, %arg11: memref<1x256x768xf32, #tpu.memory_space<vmem>>, %arg12: memref<2x2048x256xf32, #tpu.memory_space<vmem>>, %arg13: memref<2x2048x768xf32, #tpu.memory_space<vmem>>, %arg14: memref<1x256xf32, #tpu.memory_space<vmem>>, %arg15: memref<1x256xf32, #tpu.memory_space<vmem>>, %arg16: memref<1x768xf32, #tpu.memory_space<vmem>>, %arg17: memref<1x768xf32, #tpu.memory_space<vmem>>) attributes {dimension_semantics = [#tpu.dimension_semantics<arbitrary>, #tpu.dimension_semantics<arbitrary>, #tpu.dimension_semantics<arbitrary>], iteration_bounds = array<i64: 3, 2, 8>, scalar_prefetch = 0 : i64, scratch_operands = 6 : i64, tpu.core_type = #tpu.core_type<tc>, window_params = [{transform_indices = @transform_0, window_bounds = array<i64: 1, 3, 256, 256>}, {transform_indices = @transform_1, window_bounds = array<i64: 1, 256, 256>}, {transform_indices = @transform_2, window_bounds = array<i64: 1, 256, 256>}, {pipeline_mode = #tpu.pipeline_mode<synchronous>, transform_indices = @transform_3, window_bounds = array<i64: 1, 256>}, {pipeline_mode = #tpu.pipeline_mode<synchronous>, transform_indices = @transform_4, window_bounds = array<i64: 1, 256>}, {pipeline_mode = #tpu.pipeline_mode<synchronous>, transform_indices = @transform_5, window_bounds = array<i64: 768, 256>}, {pipeline_mode = #tpu.pipeline_mode<synchronous>, transform_indices = @transform_6, window_bounds = array<i64: 1, 768>}, {pipeline_mode = #tpu.pipeline_mode<synchronous>, transform_indices = @transform_7, window_bounds = array<i64: 1, 768>}, {transform_indices = @transform_8, window_bounds = array<i64: 1, 256, 768>}]} {
    %eq3A = arith.constant 0 : i32
    %eq3A_0 = arith.cmpi eq, %arg1, %eq3A : i32
    %eq3A_1 = arith.constant 0 : i32
    %eq3A_2 = arith.cmpi eq, %arg2, %eq3A_1 : i32
    %and3A = arith.andi %eq3A_0, %eq3A_2 : i1
    %eq3A_3 = arith.constant 0 : i32
    %eq3A_4 = arith.cmpi eq, %arg0, %eq3A_3 : i32
    %and3A_5 = arith.andi %eq3A_4, %and3A : i1
    %convert_element_type3A = arith.extui %and3A_5 : i1 to i32
    %cond3A = arith.constant 0 : i32
    %cond3A_6 = arith.cmpi ne, %convert_element_type3A, %cond3A : i32
    scf.if %cond3A_6 {
      %broadcast_in_dim3A = arith.constant 0.000000e+00 : f32
      %broadcast_in_dim3A_22 = vector.broadcast %broadcast_in_dim3A : f32 to vector<1x256xf32>
      %swap3A = arith.constant 0 : index
      %swap3A_23 = arith.constant 0 : index
      %swap3A_24 = vector.load %arg14[%swap3A, %swap3A_23] : memref<1x256xf32, #tpu.memory_space<vmem>>, vector<1x256xf32>
      tpu.vector_store %arg14[%swap3A, %swap3A_23], %broadcast_in_dim3A_22 {strides = array<i32>} : memref<1x256xf32, #tpu.memory_space<vmem>>, vector<1x256xf32>,
      %broadcast_in_dim3A_25 = arith.constant 0.000000e+00 : f32
      %broadcast_in_dim3A_26 = vector.broadcast %broadcast_in_dim3A_25 : f32 to vector<1x256xf32>
      %swap3A_27 = arith.constant 0 : index
      %swap3A_28 = arith.constant 0 : index
      %swap3A_29 = vector.load %arg15[%swap3A_27, %swap3A_28] : memref<1x256xf32, #tpu.memory_space<vmem>>, vector<1x256xf32>
      tpu.vector_store %arg15[%swap3A_27, %swap3A_28], %broadcast_in_dim3A_26 {strides = array<i32>} : memref<1x256xf32, #tpu.memory_space<vmem>>, vector<1x256xf32>,
      %broadcast_in_dim3A_30 = arith.constant 0.000000e+00 : f32
      %broadcast_in_dim3A_31 = vector.broadcast %broadcast_in_dim3A_30 : f32 to vector<1x768xf32>
      %swap3A_32 = arith.constant 0 : index
      %swap3A_33 = arith.constant 0 : index
      %swap3A_34 = vector.load %arg16[%swap3A_32, %swap3A_33] : memref<1x768xf32, #tpu.memory_space<vmem>>, vector<1x768xf32>
      tpu.vector_store %arg16[%swap3A_32, %swap3A_33], %broadcast_in_dim3A_31 {strides = array<i32>} : memref<1x768xf32, #tpu.memory_space<vmem>>, vector<1x768xf32>,
      %broadcast_in_dim3A_35 = arith.constant 0.000000e+00 : f32
      %broadcast_in_dim3A_36 = vector.broadcast %broadcast_in_dim3A_35 : f32 to vector<1x768xf32>
      %swap3A_37 = arith.constant 0 : index
      %swap3A_38 = arith.constant 0 : index
      %swap3A_39 = vector.load %arg17[%swap3A_37, %swap3A_38] : memref<1x768xf32, #tpu.memory_space<vmem>>, vector<1x768xf32>
      tpu.vector_store %arg17[%swap3A_37, %swap3A_38], %broadcast_in_dim3A_36 {strides = array<i32>} : memref<1x768xf32, #tpu.memory_space<vmem>>, vector<1x768xf32>,
    } else {
    }
    %eq3A_7 = arith.constant 0 : i32
    %eq3A_8 = arith.cmpi eq, %arg0, %eq3A_7 : i32
    %convert_element_type3A_9 = arith.extui %eq3A_8 : i1 to i32
    %cond3A_10 = arith.constant 0 : i32
    %cond3A_11 = arith.cmpi ne, %convert_element_type3A_9, %cond3A_10 : i32
    scf.if %cond3A_11 {
      %get3A = arith.constant 0 : index
      %get3A_22 = arith.constant 0 : index
      %get3A_23 = arith.constant 0 : index
      %get3A_24 = arith.constant 0 : index
      %get3A_25 = vector.load %arg3[%get3A, %get3A_22, %get3A_23, %get3A_24] : memref<1x3x256x256xf32, #tpu.memory_space<vmem>>, vector<1x3x256x256xf32>
      %get3A_26 = vector.shape_cast %get3A_25 : vector<1x3x256x256xf32> to vector<3x256x256xf32>
      %get3A_27 = arith.constant 0 : index
      %get3A_28 = arith.constant 0 : index
      %get3A_29 = arith.constant 0 : index
      %get3A_30 = vector.load %arg5[%get3A_27, %get3A_28, %get3A_29] : memref<1x256x256xf32, #tpu.memory_space<vmem>>, vector<1x256x256xf32>
      %get3A_31 = vector.shape_cast %get3A_30 : vector<1x256x256xf32> to vector<256x256xf32>
      %broadcast_in_dim3A = vector.shape_cast %get3A_31 : vector<256x256xf32> to vector<1x256x256xf32>
      %add3A = vector.broadcast %broadcast_in_dim3A : vector<1x256x256xf32> to vector<3x256x256xf32>
      %add3A_32 = arith.addf %get3A_26, %add3A : vector<3x256x256xf32>
      %get3A_33 = arith.constant 0 : index
      %get3A_34 = arith.constant 0 : index
      %get3A_35 = arith.constant 0 : index
      %get3A_36 = vector.load %arg4[%get3A_33, %get3A_34, %get3A_35] : memref<1x256x256xf32, #tpu.memory_space<vmem>>, vector<1x256x256xf32>
      %get3A_37 = vector.shape_cast %get3A_36 : vector<1x256x256xf32> to vector<256x256xf32>
      %get3A_38 = arith.constant 0 : index
      %get3A_39 = arith.constant 0 : index
      %get3A_40 = arith.constant 0 : index
      %get3A_41 = vector.load %arg5[%get3A_38, %get3A_39, %get3A_40] : memref<1x256x256xf32, #tpu.memory_space<vmem>>, vector<1x256x256xf32>
      %get3A_42 = vector.shape_cast %get3A_41 : vector<1x256x256xf32> to vector<256x256xf32>
      %add3A_43 = arith.addf %get3A_37, %get3A_42 : vector<256x256xf32>
      %reduce_max3A = arith.constant dense<0xFF800000> : vector<256x256xf32>
      %reduce_max3A_44 = vector.multi_reduction <maximumf>, %add3A_32, %reduce_max3A [0] : vector<3x256x256xf32> to vector<256x256xf32>
      %max3A = arith.maximumf %reduce_max3A_44, %add3A_43 : vector<256x256xf32>
      %mul3A = arith.constant 256 : i32
      %mul3A_45 = arith.muli %arg2, %mul3A : i32
      %swap3A = arith.index_cast %arg1 : i32 to index
      %swap3A_46 = arith.index_cast %mul3A_45 : i32 to index
      %swap3A_47 = arith.constant 0 : index
      %swap3A_48 = vector.load %arg12[%swap3A, %swap3A_46, %swap3A_47] : memref<2x2048x256xf32, #tpu.memory_space<vmem>>, vector<1x256x256xf32>
      %swap3A_49 = vector.shape_cast %swap3A_48 : vector<1x256x256xf32> to vector<256x256xf32>
      %swap3A_50 = vector.shape_cast %max3A : vector<256x256xf32> to vector<1x256x256xf32>
      tpu.vector_store %arg12[%swap3A, %swap3A_46, %swap3A_47], %swap3A_50 {strides = array<i32>} : memref<2x2048x256xf32, #tpu.memory_space<vmem>>, vector<1x256x256xf32>,
      %get3A_51 = arith.constant 0 : index
      %get3A_52 = arith.constant 0 : index
      %get3A_53 = vector.load %arg14[%get3A_51, %get3A_52] : memref<1x256xf32, #tpu.memory_space<vmem>>, vector<1x256xf32>
      %get3A_54 = vector.shape_cast %get3A_53 : vector<1x256xf32> to vector<256xf32>
      %reduce_sum3A = arith.constant dense<0.000000e+00> : vector<256xf32>
      %reduce_sum3A_55 = vector.multi_reduction <add>, %add3A_32, %reduce_sum3A [0, 1] : vector<3x256x256xf32> to vector<256xf32>
      %reduce_sum3A_56 = arith.constant dense<0.000000e+00> : vector<256xf32>
      %reduce_sum3A_57 = vector.multi_reduction <add>, %add3A_43, %reduce_sum3A_56 [0] : vector<256x256xf32> to vector<256xf32>
      %add3A_58 = arith.addf %reduce_sum3A_55, %reduce_sum3A_57 : vector<256xf32>
      %add3A_59 = arith.addf %get3A_54, %add3A_58 : vector<256xf32>
      %swap3A_60 = arith.constant 0 : index
      %swap3A_61 = arith.constant 0 : index
      %swap3A_62 = vector.load %arg14[%swap3A_60, %swap3A_61] : memref<1x256xf32, #tpu.memory_space<vmem>>, vector<1x256xf32>
      %swap3A_63 = vector.shape_cast %swap3A_62 : vector<1x256xf32> to vector<256xf32>
      %swap3A_64 = vector.shape_cast %add3A_59 : vector<256xf32> to vector<1x256xf32>
      tpu.vector_store %arg14[%swap3A_60, %swap3A_61], %swap3A_64 {strides = array<i32>} : memref<1x256xf32, #tpu.memory_space<vmem>>, vector<1x256xf32>,
      %get3A_65 = arith.constant 0 : index
      %get3A_66 = arith.constant 0 : index
      %get3A_67 = vector.load %arg15[%get3A_65, %get3A_66] : memref<1x256xf32, #tpu.memory_space<vmem>>, vector<1x256xf32>
      %get3A_68 = vector.shape_cast %get3A_67 : vector<1x256xf32> to vector<256xf32>
      %mul3A_69 = arith.mulf %add3A_32, %add3A_32 : vector<3x256x256xf32>
      %reduce_sum3A_70 = arith.constant dense<0.000000e+00> : vector<256xf32>
      %reduce_sum3A_71 = vector.multi_reduction <add>, %mul3A_69, %reduce_sum3A_70 [0, 1] : vector<3x256x256xf32> to vector<256xf32>
      %mul3A_72 = arith.mulf %add3A_43, %add3A_43 : vector<256x256xf32>
      %reduce_sum3A_73 = arith.constant dense<0.000000e+00> : vector<256xf32>
      %reduce_sum3A_74 = vector.multi_reduction <add>, %mul3A_72, %reduce_sum3A_73 [0] : vector<256x256xf32> to vector<256xf32>
      %add3A_75 = arith.addf %reduce_sum3A_71, %reduce_sum3A_74 : vector<256xf32>
      %add3A_76 = arith.addf %get3A_68, %add3A_75 : vector<256xf32>
      %swap3A_77 = arith.constant 0 : index
      %swap3A_78 = arith.constant 0 : index
      %swap3A_79 = vector.load %arg15[%swap3A_77, %swap3A_78] : memref<1x256xf32, #tpu.memory_space<vmem>>, vector<1x256xf32>
      %swap3A_80 = vector.shape_cast %swap3A_79 : vector<1x256xf32> to vector<256xf32>
      %swap3A_81 = vector.shape_cast %add3A_76 : vector<256xf32> to vector<1x256xf32>
      tpu.vector_store %arg15[%swap3A_77, %swap3A_78], %swap3A_81 {strides = array<i32>} : memref<1x256xf32, #tpu.memory_space<vmem>>, vector<1x256xf32>,
    } else {
    }
    %eq3A_12 = arith.constant 1 : i32
    %eq3A_13 = arith.cmpi eq, %arg0, %eq3A_12 : i32
    %convert_element_type3A_14 = arith.extui %eq3A_13 : i1 to i32
    %cond3A_15 = arith.constant 0 : i32
    %cond3A_16 = arith.cmpi ne, %convert_element_type3A_14, %cond3A_15 : i32
    scf.if %cond3A_16 {
      %get3A = arith.constant 0 : index
      %get3A_22 = arith.constant 0 : index
      %get3A_23 = vector.load %arg14[%get3A, %get3A_22] : memref<1x256xf32, #tpu.memory_space<vmem>>, vector<1x256xf32>
      %get3A_24 = vector.shape_cast %get3A_23 : vector<1x256xf32> to vector<256xf32>
      %div3A = arith.constant 1.638400e+04 : f32
      %div3A_25 = vector.broadcast %div3A : f32 to vector<256xf32>
      %div3A_26 = arith.divf %get3A_24, %div3A_25 : vector<256xf32>
      %get3A_27 = arith.constant 0 : index
      %get3A_28 = arith.constant 0 : index
      %get3A_29 = vector.load %arg15[%get3A_27, %get3A_28] : memref<1x256xf32, #tpu.memory_space<vmem>>, vector<1x256xf32>
      %get3A_30 = vector.shape_cast %get3A_29 : vector<1x256xf32> to vector<256xf32>
      %div3A_31 = arith.constant 1.638400e+04 : f32
      %div3A_32 = vector.broadcast %div3A_31 : f32 to vector<256xf32>
      %div3A_33 = arith.divf %get3A_30, %div3A_32 : vector<256xf32>
      %mul3A = arith.mulf %div3A_26, %div3A_26 : vector<256xf32>
      %sub3A = arith.subf %div3A_33, %mul3A : vector<256xf32>
      %add3A = arith.constant 9.99999974E-6 : f32
      %add3A_34 = vector.broadcast %add3A : f32 to vector<256xf32>
      %add3A_35 = arith.addf %sub3A, %add3A_34 : vector<256xf32>
      %rsqrt3A = math.rsqrt %add3A_35 : vector<256xf32>
      %get3A_36 = arith.constant 0 : index
      %get3A_37 = arith.constant 0 : index
      %get3A_38 = vector.load %arg6[%get3A_36, %get3A_37] : memref<1x256xf32, #tpu.memory_space<vmem>>, vector<1x256xf32>
      %get3A_39 = vector.shape_cast %get3A_38 : vector<1x256xf32> to vector<256xf32>
      %mul3A_40 = arith.mulf %rsqrt3A, %get3A_39 : vector<256xf32>
      %get3A_41 = arith.constant 0 : index
      %get3A_42 = arith.constant 0 : index
      %get3A_43 = vector.load %arg7[%get3A_41, %get3A_42] : memref<1x256xf32, #tpu.memory_space<vmem>>, vector<1x256xf32>
      %get3A_44 = vector.shape_cast %get3A_43 : vector<1x256xf32> to vector<256xf32>
      %mul3A_45 = arith.mulf %div3A_26, %mul3A_40 : vector<256xf32>
      %sub3A_46 = arith.subf %get3A_44, %mul3A_45 : vector<256xf32>
      %mul3A_47 = arith.constant 256 : i32
      %mul3A_48 = arith.muli %arg2, %mul3A_47 : i32
      %get3A_49 = arith.index_cast %arg1 : i32 to index
      %get3A_50 = arith.index_cast %mul3A_48 : i32 to index
      %get3A_51 = arith.constant 0 : index
      %get3A_52 = vector.load %arg12[%get3A_49, %get3A_50, %get3A_51] : memref<2x2048x256xf32, #tpu.memory_space<vmem>>, vector<1x256x256xf32>
      %get3A_53 = vector.shape_cast %get3A_52 : vector<1x256x256xf32> to vector<256x256xf32>
      %broadcast_in_dim3A = vector.shape_cast %mul3A_40 : vector<256xf32> to vector<1x256xf32>
      %mul3A_54 = vector.broadcast %broadcast_in_dim3A : vector<1x256xf32> to vector<256x256xf32>
      %mul3A_55 = arith.mulf %get3A_53, %mul3A_54 : vector<256x256xf32>
      %broadcast_in_dim3A_56 = vector.shape_cast %sub3A_46 : vector<256xf32> to vector<1x256xf32>
      %add3A_57 = vector.broadcast %broadcast_in_dim3A_56 : vector<1x256xf32> to vector<256x256xf32>
      %add3A_58 = arith.addf %mul3A_55, %add3A_57 : vector<256x256xf32>
      %ge3A = arith.constant 0.000000e+00 : f32
      %ge3A_59 = vector.broadcast %ge3A : f32 to vector<256x256xf32>
      %ge3A_60 = arith.cmpf oge, %add3A_58, %ge3A_59 : vector<256x256xf32>
      %mul3A_61 = arith.constant 2.000000e-01 : f32
      %mul3A_62 = vector.broadcast %mul3A_61 : f32 to vector<256x256xf32>
      %mul3A_63 = arith.mulf %mul3A_62, %add3A_58 : vector<256x256xf32>
      %select_n3A = arith.select %ge3A_60, %add3A_58, %mul3A_63 : vector<256x256xi1>, vector<256x256xf32>
      %get3A_64 = arith.constant 0 : index
      %get3A_65 = arith.constant 0 : index
      %get3A_66 = vector.load %arg8[%get3A_64, %get3A_65] : memref<768x256xf32, #tpu.memory_space<vmem>>, vector<768x256xf32>
      %dot_general3A = arith.constant dense<0.000000e+00> : vector<256x768xf32>
      %dot_general3A_67 = tpu.matmul %select_n3A, %get3A_66, %dot_general3A {dimension_numbers = #tpu.dot_dimension_numbers<[1], [1], [0], [0], [0, 0, 1, 0], [], []>, precision = #tpu.contract_precision<fp32>, transpose_lhs_hint = false} : vector<256x256xf32>, vector<768x256xf32>, vector<256x768xf32> -> vector<256x768xf32>
      %mul3A_68 = arith.constant 256 : i32
      %mul3A_69 = arith.muli %arg2, %mul3A_68 : i32
      %swap3A = arith.index_cast %arg1 : i32 to index
      %swap3A_70 = arith.index_cast %mul3A_69 : i32 to index
      %swap3A_71 = arith.constant 0 : index
      %swap3A_72 = vector.load %arg13[%swap3A, %swap3A_70, %swap3A_71] : memref<2x2048x768xf32, #tpu.memory_space<vmem>>, vector<1x256x768xf32>
      %swap3A_73 = vector.shape_cast %swap3A_72 : vector<1x256x768xf32> to vector<256x768xf32>
      %swap3A_74 = vector.shape_cast %dot_general3A_67 : vector<256x768xf32> to vector<1x256x768xf32>
      tpu.vector_store %arg13[%swap3A, %swap3A_70, %swap3A_71], %swap3A_74 {strides = array<i32>} : memref<2x2048x768xf32, #tpu.memory_space<vmem>>, vector<1x256x768xf32>,
      %get3A_75 = arith.constant 0 : index
      %get3A_76 = arith.constant 0 : index
      %get3A_77 = vector.load %arg16[%get3A_75, %get3A_76] : memref<1x768xf32, #tpu.memory_space<vmem>>, vector<1x768xf32>
      %get3A_78 = vector.shape_cast %get3A_77 : vector<1x768xf32> to vector<768xf32>
      %reduce_sum3A = arith.constant dense<0.000000e+00> : vector<768xf32>
      %reduce_sum3A_79 = vector.multi_reduction <add>, %dot_general3A_67, %reduce_sum3A [0] : vector<256x768xf32> to vector<768xf32>
      %add3A_80 = arith.addf %get3A_78, %reduce_sum3A_79 : vector<768xf32>
      %swap3A_81 = arith.constant 0 : index
      %swap3A_82 = arith.constant 0 : index
      %swap3A_83 = vector.load %arg16[%swap3A_81, %swap3A_82] : memref<1x768xf32, #tpu.memory_space<vmem>>, vector<1x768xf32>
      %swap3A_84 = vector.shape_cast %swap3A_83 : vector<1x768xf32> to vector<768xf32>
      %swap3A_85 = vector.shape_cast %add3A_80 : vector<768xf32> to vector<1x768xf32>
      tpu.vector_store %arg16[%swap3A_81, %swap3A_82], %swap3A_85 {strides = array<i32>} : memref<1x768xf32, #tpu.memory_space<vmem>>, vector<1x768xf32>,
      %get3A_86 = arith.constant 0 : index
      %get3A_87 = arith.constant 0 : index
      %get3A_88 = vector.load %arg17[%get3A_86, %get3A_87] : memref<1x768xf32, #tpu.memory_space<vmem>>, vector<1x768xf32>
      %get3A_89 = vector.shape_cast %get3A_88 : vector<1x768xf32> to vector<768xf32>
      %mul3A_90 = arith.mulf %dot_general3A_67, %dot_general3A_67 : vector<256x768xf32>
      %reduce_sum3A_91 = arith.constant dense<0.000000e+00> : vector<768xf32>
      %reduce_sum3A_92 = vector.multi_reduction <add>, %mul3A_90, %reduce_sum3A_91 [0] : vector<256x768xf32> to vector<768xf32>
      %add3A_93 = arith.addf %get3A_89, %reduce_sum3A_92 : vector<768xf32>
      %swap3A_94 = arith.constant 0 : index
      %swap3A_95 = arith.constant 0 : index
      %swap3A_96 = vector.load %arg17[%swap3A_94, %swap3A_95] : memref<1x768xf32, #tpu.memory_space<vmem>>, vector<1x768xf32>
      %swap3A_97 = vector.shape_cast %swap3A_96 : vector<1x768xf32> to vector<768xf32>
      %swap3A_98 = vector.shape_cast %add3A_93 : vector<768xf32> to vector<1x768xf32>
      tpu.vector_store %arg17[%swap3A_94, %swap3A_95], %swap3A_98 {strides = array<i32>} : memref<1x768xf32, #tpu.memory_space<vmem>>, vector<1x768xf32>,
    } else {
    }
    %eq3A_17 = arith.constant 2 : i32
    %eq3A_18 = arith.cmpi eq, %arg0, %eq3A_17 : i32
    %convert_element_type3A_19 = arith.extui %eq3A_18 : i1 to i32
    %cond3A_20 = arith.constant 0 : i32
    %cond3A_21 = arith.cmpi ne, %convert_element_type3A_19, %cond3A_20 : i32
    scf.if %cond3A_21 {
      %get3A = arith.constant 0 : index
      %get3A_22 = arith.constant 0 : index
      %get3A_23 = vector.load %arg16[%get3A, %get3A_22] : memref<1x768xf32, #tpu.memory_space<vmem>>, vector<1x768xf32>
      %get3A_24 = vector.shape_cast %get3A_23 : vector<1x768xf32> to vector<768xf32>
      %div3A = arith.constant 4.096000e+03 : f32
      %div3A_25 = vector.broadcast %div3A : f32 to vector<768xf32>
      %div3A_26 = arith.divf %get3A_24, %div3A_25 : vector<768xf32>
      %get3A_27 = arith.constant 0 : index
      %get3A_28 = arith.constant 0 : index
      %get3A_29 = vector.load %arg17[%get3A_27, %get3A_28] : memref<1x768xf32, #tpu.memory_space<vmem>>, vector<1x768xf32>
      %get3A_30 = vector.shape_cast %get3A_29 : vector<1x768xf32> to vector<768xf32>
      %div3A_31 = arith.constant 4.096000e+03 : f32
      %div3A_32 = vector.broadcast %div3A_31 : f32 to vector<768xf32>
      %div3A_33 = arith.divf %get3A_30, %div3A_32 : vector<768xf32>
      %mul3A = arith.mulf %div3A_26, %div3A_26 : vector<768xf32>
      %sub3A = arith.subf %div3A_33, %mul3A : vector<768xf32>
      %add3A = arith.constant 9.99999974E-6 : f32
      %add3A_34 = vector.broadcast %add3A : f32 to vector<768xf32>
      %add3A_35 = arith.addf %sub3A, %add3A_34 : vector<768xf32>
      %rsqrt3A = math.rsqrt %add3A_35 : vector<768xf32>
      %get3A_36 = arith.constant 0 : index
      %get3A_37 = arith.constant 0 : index
      %get3A_38 = vector.load %arg9[%get3A_36, %get3A_37] : memref<1x768xf32, #tpu.memory_space<vmem>>, vector<1x768xf32>
      %get3A_39 = vector.shape_cast %get3A_38 : vector<1x768xf32> to vector<768xf32>
      %mul3A_40 = arith.mulf %rsqrt3A, %get3A_39 : vector<768xf32>
      %get3A_41 = arith.constant 0 : index
      %get3A_42 = arith.constant 0 : index
      %get3A_43 = vector.load %arg10[%get3A_41, %get3A_42] : memref<1x768xf32, #tpu.memory_space<vmem>>, vector<1x768xf32>
      %get3A_44 = vector.shape_cast %get3A_43 : vector<1x768xf32> to vector<768xf32>
      %mul3A_45 = arith.mulf %div3A_26, %mul3A_40 : vector<768xf32>
      %sub3A_46 = arith.subf %get3A_44, %mul3A_45 : vector<768xf32>
      %mul3A_47 = arith.constant 256 : i32
      %mul3A_48 = arith.muli %arg2, %mul3A_47 : i32
      %get3A_49 = arith.index_cast %arg1 : i32 to index
      %get3A_50 = arith.index_cast %mul3A_48 : i32 to index
      %get3A_51 = arith.constant 0 : index
      %get3A_52 = vector.load %arg13[%get3A_49, %get3A_50, %get3A_51] : memref<2x2048x768xf32, #tpu.memory_space<vmem>>, vector<1x256x768xf32>
      %get3A_53 = vector.shape_cast %get3A_52 : vector<1x256x768xf32> to vector<256x768xf32>
      %broadcast_in_dim3A = vector.shape_cast %mul3A_40 : vector<768xf32> to vector<1x768xf32>
      %mul3A_54 = vector.broadcast %broadcast_in_dim3A : vector<1x768xf32> to vector<256x768xf32>
      %mul3A_55 = arith.mulf %get3A_53, %mul3A_54 : vector<256x768xf32>
      %broadcast_in_dim3A_56 = vector.shape_cast %sub3A_46 : vector<768xf32> to vector<1x768xf32>
      %add3A_57 = vector.broadcast %broadcast_in_dim3A_56 : vector<1x768xf32> to vector<256x768xf32>
      %add3A_58 = arith.addf %mul3A_55, %add3A_57 : vector<256x768xf32>
      %ge3A = arith.constant 0.000000e+00 : f32
      %ge3A_59 = vector.broadcast %ge3A : f32 to vector<256x768xf32>
      %ge3A_60 = arith.cmpf oge, %add3A_58, %ge3A_59 : vector<256x768xf32>
      %mul3A_61 = arith.constant 2.000000e-01 : f32
      %mul3A_62 = vector.broadcast %mul3A_61 : f32 to vector<256x768xf32>
      %mul3A_63 = arith.mulf %mul3A_62, %add3A_58 : vector<256x768xf32>
      %select_n3A = arith.select %ge3A_60, %add3A_58, %mul3A_63 : vector<256x768xi1>, vector<256x768xf32>
      %swap3A = arith.constant 0 : index
      %swap3A_64 = arith.constant 0 : index
      %swap3A_65 = arith.constant 0 : index
      %swap3A_66 = vector.load %arg11[%swap3A, %swap3A_64, %swap3A_65] : memref<1x256x768xf32, #tpu.memory_space<vmem>>, vector<1x256x768xf32>
      %swap3A_67 = vector.shape_cast %swap3A_66 : vector<1x256x768xf32> to vector<256x768xf32>
      %swap3A_68 = vector.shape_cast %select_n3A : vector<256x768xf32> to vector<1x256x768xf32>
      tpu.vector_store %arg11[%swap3A, %swap3A_64, %swap3A_65], %swap3A_68 {strides = array<i32>} : memref<1x256x768xf32, #tpu.memory_space<vmem>>, vector<1x256x768xf32>,
    } else {
    }
    return
  }
  func.func @transform_0(%arg0: i32, %arg1: i32, %arg2: i32) -> (i32, i32, i32, i32) {
    %eq3A = arith.constant 0 : i32
    %eq3A_0 = arith.cmpi eq, %arg0, %eq3A : i32
    %convert_element_type3A = arith.extui %eq3A_0 : i1 to i32
    %mul3A = arith.muli %arg1, %convert_element_type3A : i32
    %eq3A_1 = arith.constant 0 : i32
    %eq3A_2 = arith.cmpi eq, %arg0, %eq3A_1 : i32
    %convert_element_type3A_3 = arith.extui %eq3A_2 : i1 to i32
    %mul3A_4 = arith.muli %arg2, %convert_element_type3A_3 : i32
    %c0_i32 = arith.constant 0 : i32
    %c0_i32_5 = arith.constant 0 : i32
    %c0_i32_6 = arith.constant 0 : i32
    return %mul3A, %c0_i32, %mul3A_4, %c0_i32_5 : i32, i32, i32, i32
  }
  func.func @transform_1(%arg0: i32, %arg1: i32, %arg2: i32) -> (i32, i32, i32) {
    %eq3A = arith.constant 0 : i32
    %eq3A_0 = arith.cmpi eq, %arg0, %eq3A : i32
    %convert_element_type3A = arith.extui %eq3A_0 : i1 to i32
    %mul3A = arith.muli %arg1, %convert_element_type3A : i32
    %eq3A_1 = arith.constant 0 : i32
    %eq3A_2 = arith.cmpi eq, %arg0, %eq3A_1 : i32
    %convert_element_type3A_3 = arith.extui %eq3A_2 : i1 to i32
    %mul3A_4 = arith.muli %arg2, %convert_element_type3A_3 : i32
    %c0_i32 = arith.constant 0 : i32
    %c0_i32_5 = arith.constant 0 : i32
    return %mul3A, %mul3A_4, %c0_i32 : i32, i32, i32
  }
  func.func @transform_2(%arg0: i32, %arg1: i32, %arg2: i32) -> (i32, i32, i32) {
    %eq3A = arith.constant 0 : i32
    %eq3A_0 = arith.cmpi eq, %arg0, %eq3A : i32
    %convert_element_type3A = arith.extui %eq3A_0 : i1 to i32
    %mul3A = arith.muli %arg1, %convert_element_type3A : i32
    %eq3A_1 = arith.constant 0 : i32
    %eq3A_2 = arith.cmpi eq, %arg0, %eq3A_1 : i32
    %convert_element_type3A_3 = arith.extui %eq3A_2 : i1 to i32
    %mul3A_4 = arith.muli %arg2, %convert_element_type3A_3 : i32
    %c0_i32 = arith.constant 0 : i32
    %c0_i32_5 = arith.constant 0 : i32
    return %mul3A, %mul3A_4, %c0_i32 : i32, i32, i32
  }
  func.func @transform_3(%arg0: i32, %arg1: i32, %arg2: i32) -> (i32, i32) {
    %c0_i32 = arith.constant 0 : i32
    %c0_i32_0 = arith.constant 0 : i32
    %c0_i32_1 = arith.constant 0 : i32
    return %c0_i32, %c0_i32_0 : i32, i32
  }
  func.func @transform_4(%arg0: i32, %arg1: i32, %arg2: i32) -> (i32, i32) {
    %c0_i32 = arith.constant 0 : i32
    %c0_i32_0 = arith.constant 0 : i32
    %c0_i32_1 = arith.constant 0 : i32
    return %c0_i32, %c0_i32_0 : i32, i32
  }
  func.func @transform_5(%arg0: i32, %arg1: i32, %arg2: i32) -> (i32, i32) {
    %c0_i32 = arith.constant 0 : i32
    %c0_i32_0 = arith.constant 0 : i32
    %c0_i32_1 = arith.constant 0 : i32
    return %c0_i32, %c0_i32_0 : i32, i32
  }
  func.func @transform_6(%arg0: i32, %arg1: i32, %arg2: i32) -> (i32, i32) {
    %c0_i32 = arith.constant 0 : i32
    %c0_i32_0 = arith.constant 0 : i32
    %c0_i32_1 = arith.constant 0 : i32
    return %c0_i32, %c0_i32_0 : i32, i32
  }
  func.func @transform_7(%arg0: i32, %arg1: i32, %arg2: i32) -> (i32, i32) {
    %c0_i32 = arith.constant 0 : i32
    %c0_i32_0 = arith.constant 0 : i32
    %c0_i32_1 = arith.constant 0 : i32
    return %c0_i32, %c0_i32_0 : i32, i32
  }
  func.func @transform_8(%arg0: i32, %arg1: i32, %arg2: i32) -> (i32, i32, i32) {
    %eq3A = arith.constant 2 : i32
    %eq3A_0 = arith.cmpi eq, %arg0, %eq3A : i32
    %convert_element_type3A = arith.extui %eq3A_0 : i1 to i32
    %mul3A = arith.muli %arg1, %convert_element_type3A : i32
    %eq3A_1 = arith.constant 2 : i32
    %eq3A_2 = arith.cmpi eq, %arg0, %eq3A_1 : i32
    %convert_element_type3A_3 = arith.extui %eq3A_2 : i1 to i32
    %mul3A_4 = arith.muli %arg2, %convert_element_type3A_3 : i32
    %c0_i32 = arith.constant 0 : i32
    %c0_i32_5 = arith.constant 0 : i32
    return %mul3A, %mul3A_4, %c0_i32 : i32, i32, i32
  }
}

</mosaic_0001>

<sc_bundles>
// kernel: kernel.5.cloned.1.call-start
scs
__scs_entry_jumppad:
0x0: {  	(pc) =	sbr.rel $0x88, $3  }
0x1: {  	(tag) =	ssettag $0x0;
	lr =	simm.s32 $0x1  }
0x2: {  	[smem:$0x3F99] =	sst lr;
	_ =	strace $0xD0000000  }
0x3: {  	_ = 	snop  }
0x4: {  	_ = 	snop  }
0x5: {  	_ = 	snop  }
0x6: {  	_ = 	snop  }
0x7: {  	_ = 	snop  }
__scs_overlays_trampoline_lowered:
0x8: {  	[smem:$0x3FA8] =	sst s0  }
0x9: {  	[smem:$0x3FA9] =	sst s1  }
0xa: {  	[smem:$0x3FAA] =	sst s2  }
0xb: {  	[smem:$0x3FAB] =	sst s3  }
0xc: {  	[smem:$0x3FAC] =	sst s4  }
0xd: {  	[smem:$0x3FAD] =	sst s5  }
0xe: {  	[smem:$0x3FAE] =	sst s6  }
0xf: {  	[smem:$0x3FAF] =	sst s7  }
0x10: {  	[smem:$0x3FB0] =	sst s8  }
0x11: {  	[smem:$0x3FB1] =	sst s9;
	s0 =	simm.s32 @!p0 $0x0  }
0x12: {  	s1 =	sld [smem:$0x3F97];
	s0 =	simm.s32 @p0 $0x1  }
0x13: {  	[smem:$0x3FB2] =	sst s0;
	s0 =	simm.s32 @!p1 $0x0  }
0x14: {  	s2 =	sld [smem:$0x3F96];
	s0 =	simm.s32 @p1 $0x1  }
0x15: {  	[smem:$0x3FB3] =	sst s0;
	s0 =	simm.s32 @!p2 $0x0  }
0x16: {  	s3 =	sld [smem:$0x3FDB];
	s0 =	simm.s32 @p2 $0x1  }
0x17: {  	s4 =	simm.s32 $0x1BF5;
	[smem:$0x3FB5] =	sst s0  }
0x18: {  	s0 =	sld [smem:$0x3F98];
	_ =	swait.ge [sflag:s4], $0x0  }
0x19: {  	s7 =	sld [smem:$0x3F99]  }
0x1a: {  	s8 =	sadd.s32 $0xFFFFE003, lr  }
0x1b: {  	s9 =	sadd.s32 $0xFFFFFEF7, lr;
	s5 =	simm.s32 $0xFFFFFFFF;
	p2 =	slt.u32 s8, $0xFFFFF086  }
0x1c: {  	p1 =	slt.u32 s9, $0xF7A;
	s5 =	simm.s32 @!p2 $0x0  }
0x1d: {  	s5 =	simm.s32 @p1 $0x1;
	p0 =	seq.s32 s7, s2  }
0x1e: {  	s7 =	smul.u32 @!p0 $0xF7A, s2;
	p2 =	seq.s32 @!p0 s5, $0x0  }
0x1f: {  	s9 =	smul.u32 $0xF7A, s1;
	s8 =	simm.s32 @!p0 $0x1BF5;
	p2 =	por !p2, p0  }
0x20: {  	[sflag:s8] =	ssyncset.s32 @!p0 $0xFFFFF086;
	s6 =	sadd.s32 @!p0 s3, s7;
	s7 =	simm.s32 @!p0 $0x108  }
0x21: {  	s3 =	sadd.s32 s3, s9;
	s6 =	sadd.s32 @!p0 $0x88, s6;
	s7 =	simm.s32 @p2 $0x1082  }
0x22: {  	[simem:s7], [sflag:s8] =	dma.local @!p0 [hbm:s6], $0xF7A  }
0x23: {  	s9 =	sor.u32 $0xD0000000, s2;
	s6 =	simm.s32 $0x108;
	_ =	swait.ge @!p0 [sflag:s8], $0x0  }
0x24: {  	s3 =	sadd.s32 $0x88, s3;
	s6 =	simm.s32 @!p1 $0x1082;
	[sflag:s4] =	ssyncset.s32 $0xFFFFF086  }
0x25: {  	[simem:s6], [sflag:s4] =	dma.local [hbm:s3], $0xF7A  }
0x26: {  	[smem:$0x3F99] =	sst s1;
	(tag) =	ssettag s2;
	_ =	strace s9  }
0x27: {  	s1 =	sld [smem:$0x3FA9]  }
0x28: {  	s2 =	sld [smem:$0x3FAA]  }
0x29: {  	s4 =	sld [smem:$0x3FAC]  }
0x2a: {  	p0 =	seq.s32 s5, $0x0;
	s5 =	sld [smem:$0x3FAD]  }
0x2b: {  	s6 =	sld [smem:$0x3FAE]  }
0x2c: {  	s7 =	sld [smem:$0x3FAF]  }
0x2d: {  	s3 =	simm.s32 $0x108;
	s8 =	sld [smem:$0x3FB0]  }
0x2e: {  	s3 =	simm.s32 @!p0 $0x1082;
	s9 =	sld [smem:$0x3FB1]  }
0x2f: {  	lr =	sadd.s32 s0, s3;
	s0 =	sld [smem:$0x3FA8]  }
0x30: {  	s3 =	sld [smem:$0x3FAB]  }
0x31: {  	[smem:$0x3FB4] =	sst s10  }
0x32: {  	s10 =	sld [smem:$0x3FB2];
	_ =	sdelay $0x3  }
0x33: {  	p0 =	seq.s32 s10, $0x1;
	s10 =	sld [smem:$0x3FB4];
	_ =	sdelay $0x3  }
0x34: {  	[smem:$0x3FB4] =	sst s10  }
0x35: {  	s10 =	sld [smem:$0x3FB3];
	_ =	sdelay $0x3  }
0x36: {  	p1 =	seq.s32 s10, $0x1;
	s10 =	sld [smem:$0x3FB4];
	_ =	sdelay $0x3  }
0x37: {  	[smem:$0x3FB4] =	sst s10  }
0x38: {  	s10 =	sld [smem:$0x3FB5]  }
0x39: {  	_ = 	snop;
	(pc) =	sbr.ind lr, $3  }
0x3a: {  	_ = 	snop  }
0x3b: {  	_ = 	snop  }
0x3c: {  	p2 =	seq.s32 s10, $0x1;
	s10 =	sld [smem:$0x3FB4]  }
0x3d: {  	_ =	shalt  }
0x3e: {  	_ =	shalt  }
0x3f: {  	_ =	shalt  }
0x40: {  	_ =	shalt  }
0x41: {  	_ =	shalt  }
0x42: {  	_ =	shalt  }
0x43: {  	_ =	shalt  }
0x44: {  	_ =	shalt  }
0x45: {  	_ =	shalt  }
0x46: {  	_ =	shalt  }
0x47: {  	_ =	shalt  }
0x48: {  	_ =	shalt  }
0x49: {  	_ =	shalt  }
0x4a: {  	_ =	shalt  }
0x4b: {  	_ =	shalt  }
0x4c: {  	_ =	shalt  }
0x4d: {  	_ =	shalt  }
0x4e: {  	_ =	shalt  }
0x4f: {  	_ =	shalt  }
0x50: {  	_ =	shalt  }
0x51: {  	_ =	shalt  }
0x52: {  	_ =	shalt  }
0x53: {  	_ =	shalt  }
0x54: {  	_ =	shalt  }
0x55: {  	_ =	shalt  }
0x56: {  	_ =	shalt  }
0x57: {  	_ =	shalt  }
0x58: {  	_ =	shalt  }
0x59: {  	_ =	shalt  }
0x5a: {  	_ =	shalt  }
0x5b: {  	_ =	shalt  }
0x5c: {  	_ =	shalt  }
0x5d: {  	_ =	shalt  }
0x5e: {  	_ =	shalt  }
0x5f: {  	_ =	shalt  }
0x60: {  	_ =	shalt  }
0x61: {  	_ =	shalt  }
0x62: {  	_ =	shalt  }
0x63: {  	_ =	shalt  }
0x64: {  	_ =	shalt  }
0x65: {  	_ =	shalt  }
0x66: {  	_ =	shalt  }
0x67: {  	_ =	shalt  }
0x68: {  	_ =	shalt  }
0x69: {  	_ =	shalt  }
0x6a: {  	_ =	shalt  }
0x6b: {  	_ =	shalt  }
0x6c: {  	_ =	shalt  }
0x6d: {  	_ =	shalt  }
0x6e: {  	_ =	shalt  }
0x6f: {  	_ =	shalt  }
0x70: {  	_ =	shalt  }
0x71: {  	_ =	shalt  }
0x72: {  	_ =	shalt  }
0x73: {  	_ =	shalt  }
0x74: {  	_ =	shalt  }
0x75: {  	_ =	shalt  }
0x76: {  	_ =	shalt  }
0x77: {  	_ =	shalt  }
0x78: {  	_ =	shalt  }
0x79: {  	_ =	shalt  }
0x7a: {  	_ =	shalt  }
0x7b: {  	_ =	shalt  }
0x7c: {  	_ =	shalt  }
0x7d: {  	_ =	shalt  }
0x7e: {  	_ =	shalt  }
0x7f: {  	_ =	shalt  }
0x80: {  	_ =	shalt  }
0x81: {  	_ =	shalt  }
0x82: {  	_ =	shalt  }
0x83: {  	_ =	shalt  }
0x84: {  	_ =	shalt  }
0x85: {  	_ =	shalt  }
0x86: {  	_ =	shalt  }
0x87: {  	_ =	shalt  }
.Lfunc_end0:
.L_simem_size_0:
called_computation_lowered:
.L_overlay_start_0:
0x88: {  	s2 =	sld [smem:$0x3FD9]  }
0x89: {  	s3 =	sld [smem:$0x3FFE];
	_ =	sdelay $0x1  }
0x8a: {  	s1 =	srdreg.scid  }
0x8b: {  	s0 =	sand.u32 $0x1, s1  }
0x8c: {  	s17 =	sshll.u32 s0, $0xA;
	s2 =	sadd.s32 s3, s2  }
0x8d: {  	s2 =	sadd.s32 s2, s17  }
0x8e: {  	[smem:$0x3FC0] =	sst s2  }
0x8f: {  	_ = 	snop  }
0x90: {  	s2 =	sld [smem:$0x3FD0];
	(tm) =	ssettm $0x1  }
0x91: {  	s18 =	sld [smem:$0x3FFB];
	_ =	sdelay $0x3  }
0x92: {  	_ =	strace s18  }
0x93: {  	s3 =	sld [smem:$0x3FFC];
	_ =	sdelay $0x3  }
0x94: {  	_ =	strace s3  }
0x95: {  	s3 =	sld [smem:$0x3FFD];
	_ =	sdelay $0x3  }
0x96: {  	_ =	strace s3  }
0x97: {  	_ =	strace $0x8FFFFFFF  }
0x98: {  	s19 =	sld [smem:$0x3FDB];
	_ =	sdelay $0x1  }
0x99: {  	s4 =	simm.s32 $_scs_section_size  }
0x9a: {  	s5 =	simm.s32 $_size__tile_overlayer_lowered;
	s6 =	simm.s32 $_tile_overlayer_lowered  }
0x9b: {  	s22 =	simm.s32 $0x1BFF;
	s21 =	sshll.u32 s6, $0x1;
	s3 =	sadd.s32 s4, s19  }
0x9c: {  	s7 =	simm.s32 $0x0;
	s20 =	sshll.u32 s5, $0x1;
	s5 =	sadd.s32 s21, s3  }
0x9d: {  	[timem:s7], [sflag:s22] =	dma.local [hbm:s5], s20  }
0x9e: {  	_ =	swait.ge [sflag:s22], s20  }
0x9f: {  	s4 =	ssub.s32 $0x0, s20;
	[sflag:s22] =	ssyncset.done $0x0  }
0xa0: {  	[sflag:s22] =	ssyncadd.s32 s4;
	_ =	sdelay $0x1  }
0xa1: {  	s23 =	simm.s32 $0x1B8B  }
0xa2: {  	_ =	swait.ge [sflag:s23], $0x1  }
0xa3: {  	[sflag:s23] =	ssyncset.done $0x0  }
0xa4: {  	s25 =	simm.s32 $0x1B8E;
	s24 =	sld [smem:$0x3FFE];
	[sflag:s23] =	ssyncadd.s32 $0xFFFFFFFF  }
0xa5: {  	s26 =	simm.s32 $execute0_lowered;
	[smem:$0x3FD2] =	sst s25  }
0xa6: {  	s5 =	sshll.u32 s26, $0x1;
	_ =	strace $0x80000046;
	[dreg:$0x1] =	wrdreg $0xFFFFFFFF  }
0xa7: {  	s28 =	simm.s32 $_size_execute0_lowered;
	s3 =	sadd.s32 s3, s5;
	[dreg:$0x0] =	wrdreg $0x0  }
0xa8: {  	s5 =	sshll.u32 s28, $0x1;
	[dreg:$0x2] =	wrdreg s3  }
0xa9: {  	[dreg:$0x3] =	wrdreg s5  }
0xaa: {  	[dreg:$0x4] =	wrdreg $0xC0  }
0xab: {  	_ =	task [dreg:s7], $0x5FFFF  }
0xac: {  	[dreg:$0x1] =	wrdreg $0xFFFFFFFF  }
0xad: {  	[dreg:$0x0] =	wrdreg $0x60  }
0xae: {  	[dreg:$0x2] =	wrdreg s24  }
0xaf: {  	[dreg:$0x3] =	wrdreg s2  }
0xb0: {  	[dreg:$0x4] =	wrdreg $0x9  }
0xb1: {  	_ =	task.clear_ibuf [dreg:s7], $0x5FFFF;
	_ =	strace $0x90000046  }
0xb2: {  	s29 =	simm.s32 $0x9;
	_ =	strace $0x80000048  }
0xb3: {  	_ =	swait.ge [sflag:s29], $0x1  }
0xb4: {  	[sflag:s29] =	ssyncadd.s32 $0xFFFFFFFF  }
0xb5: {  	_ =	strace $0x90000048  }
0xb6: {  	_ =	sfence  }
0xb7: {  	s30 =	sld [smem:$0x0];
	_ =	sdelay $0x2  }
0xb8: {  	s31 =	sshll.u32 s1, $0xD;
	s1 =	sshrl.u32 s1, $0x2  }
0xb9: {  	s3 =	sand.u32 $0x4000, s31;
	s1 =	sadd.s32 s1, s30  }
0xba: {  	s0 =	sor.u32 s3, s0;
	s1 =	sshll.u32 s1, $0x11  }
0xbb: {  	s0 =	sor.u32 s1, s0  }
0xbc: {  	s0 =	sadd.s32 $0x8F2B, s0  }
0xbd: {  	[sflag:s0] =	ssyncadd.remote.s32 $0x1  }
0xbe: {  	_ =	sfence.sel $0xFFFF  }
0xbf: {  	[dreg:$0x0] =	wrdreg $0xFFFFFFFF;
	(pc) =	sbr.abs _section_cstart, $3  }
0xc0: {  	[dreg:$0x1] =	wrdreg $0xFFFFFFFF  }
0xc1: {  	_ =	task.clear_ibuf [dreg:s7], $0x2FFFF;
	_ =	strace $0x9FFFFFFF  }
0xc2: {  	(tm) =	ssettm $0x7FFFFFFF  }
0xc3: {  	_ =	shalt  }
tec
execute0_lowered:
.L_overlay_start_1:
0x0: {  	(tag) =	ssettag $0x1  }
0x1: {  	s1 =	srdreg.scid;
	s0 =	stileid.u32  }
0x2: {  	s3 =	rddreg [dreg:$0x0];
	s1 =	sand.u32 $0x1, s1;
	s2 =	sshll.u32 s0, $0x1  }
0x3: {  	s5 =	rddreg [dreg:$0x1];
	s4 =	sor.u32 s1, s2;
	s2 =	simm.s32 $0x0  }
0x4: {  	s19 =	simm.s32 $0x980;
	[smem:$0x7FF] =	sst s2  }
0x5: {  	s20 =	simm.s32 $0x1180;
	_ =	strace $0x80000047;
	[dreg:$0x9] =	wrdreg s19  }
0x6: {  	s21 =	simm.s32 $0x1980;
	[dreg:$0xa] =	wrdreg s20  }
0x7: {  	s22 =	simm.s32 $0x2180;
	[dreg:$0xb] =	wrdreg s21  }
0x8: {  	s23 =	simm.s32 $0x2980;
	s24 =	simm.s32 $0x3180;
	[dreg:$0xc] =	wrdreg s22  }
0x9: {  	s25 =	simm.s32 $0x3980;
	s26 =	simm.s32 $0x4180;
	[dreg:$0xd] =	wrdreg s23  }
0xa: {  	s11 =	simm.s32 $0x80;
	s12 =	simm.s32 $0x8980;
	[dreg:$0xe] =	wrdreg s24  }
0xb: {  	s13 =	simm.s32 $0x9180;
	s14 =	simm.s32 $0x9980;
	[dreg:$0xf] =	wrdreg s25  }
0xc: {  	s28 =	simm.s32 $0x2;
	s0 =	simm.s32 $0x4980;
	[dreg:$0x10] =	wrdreg s26  }
0xd: {  	s29 =	simm.s32 $0x3;
	s30 =	simm.s32 $0x4;
	[dreg:$0x11] =	wrdreg s0  }
0xe: {  	s31 =	simm.s32 $0x5;
	s7 =	sadd.s32 $0x21A00, s3;
	[dreg:$0x18] =	wrdreg s11  }
0xf: {  	s3 =	sadd.s32 $0x1A00, s3;
	s6 =	smul.u32 $0x180, s4;
	[dreg:$0x19] =	wrdreg s12  }
0x10: {  	s1 =	ssub.s32 $0x2, s1;
	s4 =	smul.u32 $0x3000, s4;
	[dreg:$0x1a] =	wrdreg s13  }
0x11: {  	[dreg:$0x1b] =	wrdreg s14;
	s19 =	simm.s32 $0xC180;
	s20 =	simm.s32 $0xC980  }
0x12: {  	s21 =	simm.s32 $0xD180;
	s22 =	sshrl.u32 s1, $0x1;
	s23 =	simm.s32 $0xD980  }
0x13: {  	s24 =	simm.s32 $0xE180;
	s25 =	simm.s32 $0xE980;
	[smem:$0x7F7] =	sst s19  }
0x14: {  	s26 =	simm.s32 $0xF180;
	s11 =	simm.s32 $0x10980;
	[smem:$0x7F8] =	sst s20  }
0x15: {  	s12 =	simm.s32 $0x11180;
	s13 =	simm.s32 $0x11980;
	[smem:$0x7F9] =	sst s21  }
0x16: {  	s14 =	simm.s32 $0x12180;
	s8 =	sshrl.u32 s6, $0x3;
	[smem:$0x7FA] =	sst s23  }
0x17: {  	s9 =	sadd.s32 $0x80, s6;
	s6 =	sadd.s32 $0x100, s6;
	[smem:$0x7FB] =	sst s24  }
0x18: {  	s4 =	sadd.s32 s5, s4;
	s1 =	ssub.s32 s1, s22;
	[smem:$0x7FC] =	sst s25  }
0x19: {  	[smem:$0x7FD] =	sst s26;
	s19 =	simm.s32 $0x14980;
	s20 =	simm.s32 $0x15180  }
0x1a: {  	s8 =	sadd.s32 s7, s8;
	s15 =	sshrl.u32 s9, $0x3;
	[dreg:$0x6] =	wrdreg s4  }
0x1b: {  	s16 =	sshll.u32 s9, $0x5;
	s9 =	simm.s32 $0x7180;
	[dreg:$0x3] =	wrdreg s8  }
0x1c: {  	s10 =	sshrl.u32 s6, $0x3;
	s8 =	sadd.s32 s7, s15;
	[dreg:$0x16] =	wrdreg s9  }
0x1d: {  	s21 =	simm.s32 $0x15980;
	s7 =	sadd.s32 s7, s10;
	[dreg:$0x4] =	wrdreg s8  }
0x1e: {  	s6 =	sshll.u32 s6, $0x5;
	s17 =	sadd.s32 s5, s16;
	[dreg:$0x5] =	wrdreg s7  }
0x1f: {  	s22 =	simm.s32 $0x16180;
	s18 =	sadd.s32 s5, s6;
	[dreg:$0x7] =	wrdreg s17  }
0x20: {  	s23 =	simm.s32 $0x16980;
	s5 =	simm.s32 $0x5180;
	[dreg:$0x8] =	wrdreg s18  }
0x21: {  	s24 =	simm.s32 $0x17180;
	s6 =	simm.s32 $0x5980;
	[dreg:$0x12] =	wrdreg s5  }
0x22: {  	s25 =	simm.s32 $0x17980;
	s10 =	simm.s32 $0x7980;
	[dreg:$0x13] =	wrdreg s6  }
0x23: {  	s26 =	simm.s32 $0x1;
	s15 =	simm.s32 $0xA180;
	[dreg:$0x17] =	wrdreg s10  }
0x24: {  	s4 =	smax.u32 s1, $0x1;
	s16 =	simm.s32 $0xA980;
	[dreg:$0x1c] =	wrdreg s15  }
0x25: {  	s1 =	simm.s32 $0x6;
	s7 =	simm.s32 $0x6180;
	[dreg:$0x1d] =	wrdreg s16  }
0x26: {  	s8 =	simm.s32 $0x6980;
	s17 =	simm.s32 $0xB180;
	[dreg:$0x14] =	wrdreg s7  }
0x27: {  	s18 =	simm.s32 $0xB980;
	s5 =	simm.s32 $0x7;
	[dreg:$0x15] =	wrdreg s8  }
0x28: {  	v2 =	vlaneseq.u32;
	s6 =	simm.s32 $0x180;
	s10 =	simm.s32 $0x10180;
	[dreg:$0x1e] =	wrdreg s17  }
0x29: {  	vm0 =	vmmov $0xffff;
	v1 =	vshrl.u32 v2, $0x3;
	s15 =	simm.s32 $0x12980;
	s16 =	simm.s32 $0x13180;
	[dreg:$0x1f] =	wrdreg s18  }
0x2a: {  	v0 =	vand.u32 $0x7, v2;
	v2 =	vor.u32 $0x8, v2;
	v1 =	vmul.u32 $0x8, v1;
	s7 =	simm.s32 $0x8180;
	s17 =	simm.s32 $0x13980;
	s18 =	simm.s32 $0x14180  }
.LBB2_1:
0x2b: {  	s0 =	rddreg [dreg:$0x3]  }
0x2c: {  	[tilespmem:s2], [sflag:$0x7] =	stream.linear.gather [hbm4b:s0+s2], $0x80, $0x38;
	[tilespmem:$0x18180] =	vst v63  }
0x2d: {  	_ =	swait.ge [sflag:s5], $0x80  }
0x2e: {  	[sflag:s5] =	ssyncset.done $0x0  }
0x2f: {  	[sflag:s5] =	ssyncadd.s32 $0xFFFFFF80  }
0x30: {  	v3 =	vld [tilespmem:$0x0];
	_ =	sdelay $0x4  }
0x31: {  	v4 =	vshll.u32 v3, $0x1  }
0x32: {  	v3 =	vand.u32 $0x7, v3;
	v4 =	vand.u32 $0xFFFFFFF0, v4  }
0x33: {  	v3 =	vor.u32 v3, v4  }
0x34: {  	v4 =	vperm.xlane v3, v0;
	_ =	sdelay $0x1  }
0x35: {  	v3 =	vperm.xlane v3, v2;
	v4 =	vadd.s32 v1, v4;
	_ =	sdelay $0x1  }
0x36: {  	v3 =	vadd.s32 v1, v3;
	_ =	sdelay $0x2  }
0x37: {  	[tilespmem:s6], [sflag:$0x1] =	stream.indirect_vreg.gather [hbm4b:s3+s2], $0x80, v4, vm0, $0xb8;
	[tilespmem:$0x18180] =	vst v63  }
0x38: {  	s8 =	rddreg [dreg:$0x9]  }
0x39: {  	[tilespmem:s8], [sflag:$0x1] =	stream.indirect_vreg.gather [hbm4b:s3+s2], $0x80, v3, vm0, $0xb8;
	[tilespmem:$0x18180] =	vst v63  }
0x3a: {  	v3 =	vld [tilespmem:$0x10];
	_ =	sdelay $0x4  }
0x3b: {  	v41 =	vshll.u32 v3, $0x1  }
0x3c: {  	v3 =	vand.u32 $0x7, v3;
	v4 =	vand.u32 $0xFFFFFFF0, v41  }
0x3d: {  	v3 =	vor.u32 v3, v4  }
0x3e: {  	v4 =	vperm.xlane v3, v0;
	_ =	sdelay $0x1  }
0x3f: {  	v3 =	vperm.xlane v3, v2;
	v4 =	vadd.s32 v1, v4;
	_ =	sdelay $0x1  }
0x40: {  	v3 =	vadd.s32 v1, v3;
	_ =	sdelay $0x1  }
0x41: {  	s9 =	rddreg [dreg:$0xa]  }
0x42: {  	[tilespmem:s9], [sflag:$0x1] =	stream.indirect_vreg.gather [hbm4b:s3+s2], $0x80, v4, vm0, $0xb8;
	[tilespmem:$0x18180] =	vst v63  }
0x43: {  	s8 =	rddreg [dreg:$0xb]  }
0x44: {  	[tilespmem:s8], [sflag:$0x1] =	stream.indirect_vreg.gather [hbm4b:s3+s2], $0x80, v3, vm0, $0xb8;
	[tilespmem:$0x18180] =	vst v63  }
0x45: {  	v3 =	vld [tilespmem:$0x20];
	_ =	sdelay $0x4  }
0x46: {  	v42 =	vshll.u32 v3, $0x1  }
0x47: {  	v3 =	vand.u32 $0x7, v3;
	v4 =	vand.u32 $0xFFFFFFF0, v42  }
0x48: {  	v3 =	vor.u32 v3, v4  }
0x49: {  	v4 =	vperm.xlane v3, v0;
	_ =	sdelay $0x1  }
0x4a: {  	v3 =	vperm.xlane v3, v2;
	v4 =	vadd.s32 v1, v4;
	_ =	sdelay $0x1  }
0x4b: {  	v3 =	vadd.s32 v1, v3;
	_ =	sdelay $0x1  }
0x4c: {  	s8 =	rddreg [dreg:$0xc]  }
0x4d: {  	[tilespmem:s8], [sflag:$0x1] =	stream.indirect_vreg.gather [hbm4b:s3+s2], $0x80, v4, vm0, $0xb8;
	[tilespmem:$0x18180] =	vst v63  }
0x4e: {  	s9 =	rddreg [dreg:$0xd]  }
0x4f: {  	[tilespmem:s9], [sflag:$0x1] =	stream.indirect_vreg.gather [hbm4b:s3+s2], $0x80, v3, vm0, $0xb8;
	[tilespmem:$0x18180] =	vst v63  }
0x50: {  	v3 =	vld [tilespmem:$0x30];
	_ =	sdelay $0x4  }
0x51: {  	v43 =	vshll.u32 v3, $0x1  }
0x52: {  	v3 =	vand.u32 $0x7, v3;
	v4 =	vand.u32 $0xFFFFFFF0, v43  }
0x53: {  	v3 =	vor.u32 v3, v4  }
0x54: {  	v4 =	vperm.xlane v3, v0;
	_ =	sdelay $0x1  }
0x55: {  	v3 =	vperm.xlane v3, v2;
	v4 =	vadd.s32 v1, v4;
	_ =	sdelay $0x1  }
0x56: {  	v3 =	vadd.s32 v1, v3;
	_ =	sdelay $0x1  }
0x57: {  	s8 =	rddreg [dreg:$0xe]  }
0x58: {  	[tilespmem:s8], [sflag:$0x1] =	stream.indirect_vreg.gather [hbm4b:s3+s2], $0x80, v4, vm0, $0xb8;
	[tilespmem:$0x18180] =	vst v63  }
0x59: {  	s9 =	rddreg [dreg:$0xf]  }
0x5a: {  	[tilespmem:s9], [sflag:$0x1] =	stream.indirect_vreg.gather [hbm4b:s3+s2], $0x80, v3, vm0, $0xb8;
	[tilespmem:$0x18180] =	vst v63  }
0x5b: {  	v3 =	vld [tilespmem:$0x40];
	_ =	sdelay $0x4  }
0x5c: {  	v44 =	vshll.u32 v3, $0x1  }
0x5d: {  	v3 =	vand.u32 $0x7, v3;
	v4 =	vand.u32 $0xFFFFFFF0, v44  }
0x5e: {  	v3 =	vor.u32 v3, v4  }
0x5f: {  	v4 =	vperm.xlane v3, v0;
	_ =	sdelay $0x1  }
0x60: {  	v3 =	vperm.xlane v3, v2;
	v4 =	vadd.s32 v1, v4;
	_ =	sdelay $0x1  }
0x61: {  	v3 =	vadd.s32 v1, v3;
	_ =	sdelay $0x1  }
0x62: {  	s8 =	rddreg [dreg:$0x10]  }
0x63: {  	[tilespmem:s8], [sflag:$0x1] =	stream.indirect_vreg.gather [hbm4b:s3+s2], $0x80, v4, vm0, $0xb8;
	[tilespmem:$0x18180] =	vst v63  }
0x64: {  	s9 =	rddreg [dreg:$0x11]  }
0x65: {  	[tilespmem:s9], [sflag:$0x1] =	stream.indirect_vreg.gather [hbm4b:s3+s2], $0x80, v3, vm0, $0xb8;
	[tilespmem:$0x18180] =	vst v63  }
0x66: {  	v3 =	vld [tilespmem:$0x50];
	_ =	sdelay $0x4  }
0x67: {  	v45 =	vshll.u32 v3, $0x1  }
0x68: {  	v3 =	vand.u32 $0x7, v3;
	v4 =	vand.u32 $0xFFFFFFF0, v45  }
0x69: {  	v3 =	vor.u32 v3, v4  }
0x6a: {  	v4 =	vperm.xlane v3, v0;
	_ =	sdelay $0x1  }
0x6b: {  	v3 =	vperm.xlane v3, v2;
	v4 =	vadd.s32 v1, v4;
	_ =	sdelay $0x1  }
0x6c: {  	v3 =	vadd.s32 v1, v3;
	_ =	sdelay $0x1  }
0x6d: {  	s8 =	rddreg [dreg:$0x12]  }
0x6e: {  	[tilespmem:s8], [sflag:$0x1] =	stream.indirect_vreg.gather [hbm4b:s3+s2], $0x80, v4, vm0, $0xb8;
	[tilespmem:$0x18180] =	vst v63  }
0x6f: {  	s9 =	rddreg [dreg:$0x13]  }
0x70: {  	[tilespmem:s9], [sflag:$0x1] =	stream.indirect_vreg.gather [hbm4b:s3+s2], $0x80, v3, vm0, $0xb8;
	[tilespmem:$0x18180] =	vst v63  }
0x71: {  	v3 =	vld [tilespmem:$0x60];
	_ =	sdelay $0x4  }
0x72: {  	v46 =	vshll.u32 v3, $0x1  }
0x73: {  	v3 =	vand.u32 $0x7, v3;
	v4 =	vand.u32 $0xFFFFFFF0, v46  }
0x74: {  	v3 =	vor.u32 v3, v4  }
0x75: {  	v4 =	vperm.xlane v3, v0;
	_ =	sdelay $0x1  }
0x76: {  	v3 =	vperm.xlane v3, v2;
	v4 =	vadd.s32 v1, v4;
	_ =	sdelay $0x1  }
0x77: {  	v3 =	vadd.s32 v1, v3;
	_ =	sdelay $0x1  }
0x78: {  	s8 =	rddreg [dreg:$0x14]  }
0x79: {  	[tilespmem:s8], [sflag:$0x1] =	stream.indirect_vreg.gather [hbm4b:s3+s2], $0x80, v4, vm0, $0xb8;
	[tilespmem:$0x18180] =	vst v63  }
0x7a: {  	s9 =	rddreg [dreg:$0x15]  }
0x7b: {  	[tilespmem:s9], [sflag:$0x1] =	stream.indirect_vreg.gather [hbm4b:s3+s2], $0x80, v3, vm0, $0xb8;
	[tilespmem:$0x18180] =	vst v63  }
0x7c: {  	v3 =	vld [tilespmem:$0x70];
	_ =	sdelay $0x4  }
0x7d: {  	v47 =	vshll.u32 v3, $0x1  }
0x7e: {  	v3 =	vand.u32 $0x7, v3;
	v4 =	vand.u32 $0xFFFFFFF0, v47  }
0x7f: {  	v3 =	vor.u32 v3, v4  }
0x80: {  	v4 =	vperm.xlane v3, v0;
	_ =	sdelay $0x1  }
0x81: {  	v3 =	vperm.xlane v3, v2;
	v4 =	vadd.s32 v1, v4;
	_ =	sdelay $0x1  }
0x82: {  	v3 =	vadd.s32 v1, v3  }
0x83: {  	s0 =	rddreg [dreg:$0x17]  }
0x84: {  	s8 =	rddreg [dreg:$0x16]  }
0x85: {  	[tilespmem:s8], [sflag:$0x1] =	stream.indirect_vreg.gather [hbm4b:s3+s2], $0x80, v4, vm0, $0xb8;
	[tilespmem:$0x18180] =	vst v63  }
0x86: {  	s9 =	rddreg [dreg:$0x18]  }
0x87: {  	[tilespmem:s0], [sflag:$0x1] =	stream.indirect_vreg.gather [hbm4b:s3+s2], $0x80, v3, vm0, $0xb8;
	[tilespmem:$0x18180] =	vst v63  }
0x88: {  	s8 =	rddreg [dreg:$0x4]  }
0x89: {  	[tilespmem:s9], [sflag:$0x7] =	stream.linear.gather [hbm4b:s8+s2], $0x80, $0x38;
	[tilespmem:$0x18180] =	vst v63  }
0x8a: {  	_ =	swait.ge [sflag:s5], $0x80  }
0x8b: {  	[sflag:s5] =	ssyncset.done $0x0  }
0x8c: {  	[sflag:s5] =	ssyncadd.s32 $0xFFFFFF80  }
0x8d: {  	v3 =	vld [tilespmem:$0x80];
	_ =	sdelay $0x4  }
0x8e: {  	v48 =	vshll.u32 v3, $0x1  }
0x8f: {  	v3 =	vand.u32 $0x7, v3;
	v4 =	vand.u32 $0xFFFFFFF0, v48  }
0x90: {  	v3 =	vor.u32 v3, v4  }
0x91: {  	v4 =	vperm.xlane v3, v0;
	_ =	sdelay $0x1  }
0x92: {  	v3 =	vperm.xlane v3, v2;
	v4 =	vadd.s32 v1, v4;
	_ =	sdelay $0x1  }
0x93: {  	v3 =	vadd.s32 v1, v3;
	_ =	sdelay $0x2  }
0x94: {  	[tilespmem:s7], [sflag:$0x2] =	stream.indirect_vreg.gather [hbm4b:s3+s2], $0x80, v4, vm0, $0xb8;
	[tilespmem:$0x18180] =	vst v63  }
0x95: {  	s9 =	rddreg [dreg:$0x19]  }
0x96: {  	[tilespmem:s9], [sflag:$0x2] =	stream.indirect_vreg.gather [hbm4b:s3+s2], $0x80, v3, vm0, $0xb8;
	[tilespmem:$0x18180] =	vst v63  }
0x97: {  	v3 =	vld [tilespmem:$0x90];
	_ =	sdelay $0x4  }
0x98: {  	v49 =	vshll.u32 v3, $0x1  }
0x99: {  	v3 =	vand.u32 $0x7, v3;
	v4 =	vand.u32 $0xFFFFFFF0, v49  }
0x9a: {  	v3 =	vor.u32 v3, v4  }
0x9b: {  	v4 =	vperm.xlane v3, v0;
	_ =	sdelay $0x1  }
0x9c: {  	v3 =	vperm.xlane v3, v2;
	v4 =	vadd.s32 v1, v4;
	_ =	sdelay $0x1  }
0x9d: {  	v3 =	vadd.s32 v1, v3;
	_ =	sdelay $0x1  }
0x9e: {  	s8 =	rddreg [dreg:$0x1a]  }
0x9f: {  	[tilespmem:s8], [sflag:$0x2] =	stream.indirect_vreg.gather [hbm4b:s3+s2], $0x80, v4, vm0, $0xb8;
	[tilespmem:$0x18180] =	vst v63  }
0xa0: {  	s9 =	rddreg [dreg:$0x1b]  }
0xa1: {  	[tilespmem:s9], [sflag:$0x2] =	stream.indirect_vreg.gather [hbm4b:s3+s2], $0x80, v3, vm0, $0xb8;
	[tilespmem:$0x18180] =	vst v63  }
0xa2: {  	v3 =	vld [tilespmem:$0xA0];
	_ =	sdelay $0x4  }
0xa3: {  	v50 =	vshll.u32 v3, $0x1  }
0xa4: {  	v3 =	vand.u32 $0x7, v3;
	v4 =	vand.u32 $0xFFFFFFF0, v50  }
0xa5: {  	v3 =	vor.u32 v3, v4  }
0xa6: {  	v4 =	vperm.xlane v3, v0;
	_ =	sdelay $0x1  }
0xa7: {  	v3 =	vperm.xlane v3, v2;
	v4 =	vadd.s32 v1, v4;
	_ =	sdelay $0x1  }
0xa8: {  	v3 =	vadd.s32 v1, v3;
	_ =	sdelay $0x1  }
0xa9: {  	s8 =	rddreg [dreg:$0x1c]  }
0xaa: {  	[tilespmem:s8], [sflag:$0x2] =	stream.indirect_vreg.gather [hbm4b:s3+s2], $0x80, v4, vm0, $0xb8;
	[tilespmem:$0x18180] =	vst v63  }
0xab: {  	s9 =	rddreg [dreg:$0x1d]  }
0xac: {  	[tilespmem:s9], [sflag:$0x2] =	stream.indirect_vreg.gather [hbm4b:s3+s2], $0x80, v3, vm0, $0xb8;
	[tilespmem:$0x18180] =	vst v63  }
0xad: {  	v3 =	vld [tilespmem:$0xB0];
	_ =	sdelay $0x4  }
0xae: {  	v51 =	vshll.u32 v3, $0x1  }
0xaf: {  	v3 =	vand.u32 $0x7, v3;
	v4 =	vand.u32 $0xFFFFFFF0, v51  }
0xb0: {  	v3 =	vor.u32 v3, v4  }
0xb1: {  	v4 =	vperm.xlane v3, v0;
	_ =	sdelay $0x1  }
0xb2: {  	v3 =	vperm.xlane v3, v2;
	v4 =	vadd.s32 v1, v4;
	_ =	sdelay $0x1  }
0xb3: {  	v3 =	vadd.s32 v1, v3;
	_ =	sdelay $0x1  }
0xb4: {  	s8 =	rddreg [dreg:$0x1e]  }
0xb5: {  	[tilespmem:s8], [sflag:$0x2] =	stream.indirect_vreg.gather [hbm4b:s3+s2], $0x80, v4, vm0, $0xb8;
	[tilespmem:$0x18180] =	vst v63  }
0xb6: {  	s9 =	rddreg [dreg:$0x1f]  }
0xb7: {  	[tilespmem:s9], [sflag:$0x2] =	stream.indirect_vreg.gather [hbm4b:s3+s2], $0x80, v3, vm0, $0xb8;
	[tilespmem:$0x18180] =	vst v63  }
0xb8: {  	v3 =	vld [tilespmem:$0xC0];
	_ =	sdelay $0x4  }
0xb9: {  	v52 =	vshll.u32 v3, $0x1  }
0xba: {  	v3 =	vand.u32 $0x7, v3;
	v4 =	vand.u32 $0xFFFFFFF0, v52  }
0xbb: {  	v3 =	vor.u32 v3, v4  }
0xbc: {  	v4 =	vperm.xlane v3, v0;
	_ =	sdelay $0x1  }
0xbd: {  	v3 =	vperm.xlane v3, v2;
	v4 =	vadd.s32 v1, v4;
	_ =	sdelay $0x1  }
0xbe: {  	s8 =	sld [smem:$0x7F7];
	v3 =	vadd.s32 v1, v3;
	_ =	sdelay $0x1  }
0xbf: {  	s9 =	sld [smem:$0x7F8]  }
0xc0: {  	[tilespmem:s8], [sflag:$0x2] =	stream.indirect_vreg.gather [hbm4b:s3+s2], $0x80, v4, vm0, $0xb8;
	[tilespmem:$0x18180] =	vst v63  }
0xc1: {  	_ = 	snop  }
0xc2: {  	[tilespmem:s9], [sflag:$0x2] =	stream.indirect_vreg.gather [hbm4b:s3+s2], $0x80, v3, vm0, $0xb8;
	[tilespmem:$0x18180] =	vst v63  }
0xc3: {  	v3 =	vld [tilespmem:$0xD0];
	_ =	sdelay $0x4  }
0xc4: {  	v53 =	vshll.u32 v3, $0x1  }
0xc5: {  	v3 =	vand.u32 $0x7, v3;
	v4 =	vand.u32 $0xFFFFFFF0, v53  }
0xc6: {  	v3 =	vor.u32 v3, v4  }
0xc7: {  	v4 =	vperm.xlane v3, v0;
	_ =	sdelay $0x1  }
0xc8: {  	v3 =	vperm.xlane v3, v2;
	v4 =	vadd.s32 v1, v4;
	_ =	sdelay $0x1  }
0xc9: {  	s8 =	sld [smem:$0x7F9];
	v3 =	vadd.s32 v1, v3;
	_ =	sdelay $0x1  }
0xca: {  	s9 =	sld [smem:$0x7FA]  }
0xcb: {  	[tilespmem:s8], [sflag:$0x2] =	stream.indirect_vreg.gather [hbm4b:s3+s2], $0x80, v4, vm0, $0xb8;
	[tilespmem:$0x18180] =	vst v63  }
0xcc: {  	_ = 	snop  }
0xcd: {  	[tilespmem:s9], [sflag:$0x2] =	stream.indirect_vreg.gather [hbm4b:s3+s2], $0x80, v3, vm0, $0xb8;
	[tilespmem:$0x18180] =	vst v63  }
0xce: {  	v3 =	vld [tilespmem:$0xE0];
	_ =	sdelay $0x4  }
0xcf: {  	v54 =	vshll.u32 v3, $0x1  }
0xd0: {  	v3 =	vand.u32 $0x7, v3;
	v4 =	vand.u32 $0xFFFFFFF0, v54  }
0xd1: {  	v3 =	vor.u32 v3, v4  }
0xd2: {  	v4 =	vperm.xlane v3, v0;
	_ =	sdelay $0x1  }
0xd3: {  	v3 =	vperm.xlane v3, v2;
	v4 =	vadd.s32 v1, v4;
	_ =	sdelay $0x1  }
0xd4: {  	s8 =	sld [smem:$0x7FB];
	v3 =	vadd.s32 v1, v3;
	_ =	sdelay $0x1  }
0xd5: {  	s9 =	sld [smem:$0x7FC]  }
0xd6: {  	[tilespmem:s8], [sflag:$0x2] =	stream.indirect_vreg.gather [hbm4b:s3+s2], $0x80, v4, vm0, $0xb8;
	[tilespmem:$0x18180] =	vst v63  }
0xd7: {  	_ = 	snop  }
0xd8: {  	[tilespmem:s9], [sflag:$0x2] =	stream.indirect_vreg.gather [hbm4b:s3+s2], $0x80, v3, vm0, $0xb8;
	[tilespmem:$0x18180] =	vst v63  }
0xd9: {  	v3 =	vld [tilespmem:$0xF0];
	_ =	sdelay $0x4  }
0xda: {  	v55 =	vshll.u32 v3, $0x1  }
0xdb: {  	v3 =	vand.u32 $0x7, v3;
	v4 =	vand.u32 $0xFFFFFFF0, v55  }
0xdc: {  	v3 =	vor.u32 v3, v4  }
0xdd: {  	v4 =	vperm.xlane v3, v0;
	_ =	sdelay $0x1  }
0xde: {  	v3 =	vperm.xlane v3, v2;
	v4 =	vadd.s32 v1, v4;
	_ =	sdelay $0x1  }
0xdf: {  	s8 =	sld [smem:$0x7FD];
	v3 =	vadd.s32 v1, v3;
	_ =	sdelay $0x2  }
0xe0: {  	[tilespmem:s8], [sflag:$0x2] =	stream.indirect_vreg.gather [hbm4b:s3+s2], $0x80, v4, vm0, $0xb8;
	[tilespmem:$0x18180] =	vst v63  }
0xe1: {  	s9 =	simm.s32 $0xF980  }
0xe2: {  	[tilespmem:s9], [sflag:$0x2] =	stream.indirect_vreg.gather [hbm4b:s3+s2], $0x80, v3, vm0, $0xb8;
	[tilespmem:$0x18180] =	vst v63  }
0xe3: {  	s0 =	rddreg [dreg:$0x5];
	s9 =	simm.s32 $0x100  }
0xe4: {  	[tilespmem:s9], [sflag:$0x7] =	stream.linear.gather [hbm4b:s0+s2], $0x80, $0x38;
	[tilespmem:$0x18180] =	vst v63  }
0xe5: {  	_ =	swait.ge [sflag:s5], $0x80  }
0xe6: {  	[sflag:s5] =	ssyncset.done $0x0  }
0xe7: {  	[sflag:s5] =	ssyncadd.s32 $0xFFFFFF80  }
0xe8: {  	v3 =	vld [tilespmem:$0x100];
	_ =	sdelay $0x4  }
0xe9: {  	v56 =	vshll.u32 v3, $0x1  }
0xea: {  	v3 =	vand.u32 $0x7, v3;
	v4 =	vand.u32 $0xFFFFFFF0, v56  }
0xeb: {  	v3 =	vor.u32 v3, v4  }
0xec: {  	v4 =	vperm.xlane v3, v0;
	_ =	sdelay $0x1  }
0xed: {  	v3 =	vperm.xlane v3, v2;
	v4 =	vadd.s32 v1, v4;
	_ =	sdelay $0x1  }
0xee: {  	v3 =	vadd.s32 v1, v3;
	_ =	sdelay $0x2  }
0xef: {  	[tilespmem:s10], [sflag:$0x3] =	stream.indirect_vreg.gather [hbm4b:s3+s2], $0x80, v4, vm0, $0xb8;
	[tilespmem:$0x18180] =	vst v63  }
0xf0: {  	_ = 	snop  }
0xf1: {  	[tilespmem:s11], [sflag:$0x3] =	stream.indirect_vreg.gather [hbm4b:s3+s2], $0x80, v3, vm0, $0xb8;
	[tilespmem:$0x18180] =	vst v63  }
0xf2: {  	v3 =	vld [tilespmem:$0x110];
	_ =	sdelay $0x4  }
0xf3: {  	v57 =	vshll.u32 v3, $0x1  }
0xf4: {  	v3 =	vand.u32 $0x7, v3;
	v4 =	vand.u32 $0xFFFFFFF0, v57  }
0xf5: {  	v3 =	vor.u32 v3, v4  }
0xf6: {  	v4 =	vperm.xlane v3, v0;
	_ =	sdelay $0x1  }
0xf7: {  	v3 =	vperm.xlane v3, v2;
	v4 =	vadd.s32 v1, v4;
	_ =	sdelay $0x1  }
0xf8: {  	v3 =	vadd.s32 v1, v3;
	_ =	sdelay $0x2  }
0xf9: {  	[tilespmem:s12], [sflag:$0x3] =	stream.indirect_vreg.gather [hbm4b:s3+s2], $0x80, v4, vm0, $0xb8;
	[tilespmem:$0x18180] =	vst v63  }
0xfa: {  	_ = 	snop  }
0xfb: {  	[tilespmem:s13], [sflag:$0x3] =	stream.indirect_vreg.gather [hbm4b:s3+s2], $0x80, v3, vm0, $0xb8;
	[tilespmem:$0x18180] =	vst v63  }
0xfc: {  	v3 =	vld [tilespmem:$0x120];
	_ =	sdelay $0x4  }
0xfd: {  	v58 =	vshll.u32 v3, $0x1  }
0xfe: {  	v3 =	vand.u32 $0x7, v3;
	v4 =	vand.u32 $0xFFFFFFF0, v58  }
0xff: {  	v3 =	vor.u32 v3, v4  }
0x100: {  	v4 =	vperm.xlane v3, v0;
	_ =	sdelay $0x1  }
0x101: {  	v3 =	vperm.xlane v3, v2;
	v4 =	vadd.s32 v1, v4;
	_ =	sdelay $0x1  }
0x102: {  	v3 =	vadd.s32 v1, v3;
	_ =	sdelay $0x2  }
0x103: {  	[tilespmem:s14], [sflag:$0x3] =	stream.indirect_vreg.gather [hbm4b:s3+s2], $0x80, v4, vm0, $0xb8;
	[tilespmem:$0x18180] =	vst v63  }
0x104: {  	_ = 	snop  }
0x105: {  	[tilespmem:s15], [sflag:$0x3] =	stream.indirect_vreg.gather [hbm4b:s3+s2], $0x80, v3, vm0, $0xb8;
	[tilespmem:$0x18180] =	vst v63  }
0x106: {  	v3 =	vld [tilespmem:$0x130];
	_ =	sdelay $0x4  }
0x107: {  	v59 =	vshll.u32 v3, $0x1  }
0x108: {  	v3 =	vand.u32 $0x7, v3;
	v4 =	vand.u32 $0xFFFFFFF0, v59  }
0x109: {  	v3 =	vor.u32 v3, v4  }
0x10a: {  	v4 =	vperm.xlane v3, v0;
	_ =	sdelay $0x1  }
0x10b: {  	v3 =	vperm.xlane v3, v2;
	v4 =	vadd.s32 v1, v4;
	_ =	sdelay $0x1  }
0x10c: {  	v3 =	vadd.s32 v1, v3;
	_ =	sdelay $0x2  }
0x10d: {  	[tilespmem:s16], [sflag:$0x3] =	stream.indirect_vreg.gather [hbm4b:s3+s2], $0x80, v4, vm0, $0xb8;
	[tilespmem:$0x18180] =	vst v63  }
0x10e: {  	_ = 	snop  }
0x10f: {  	[tilespmem:s17], [sflag:$0x3] =	stream.indirect_vreg.gather [hbm4b:s3+s2], $0x80, v3, vm0, $0xb8;
	[tilespmem:$0x18180] =	vst v63  }
0x110: {  	v3 =	vld [tilespmem:$0x140];
	_ =	sdelay $0x4  }
0x111: {  	v60 =	vshll.u32 v3, $0x1  }
0x112: {  	v3 =	vand.u32 $0x7, v3;
	v4 =	vand.u32 $0xFFFFFFF0, v60  }
0x113: {  	v3 =	vor.u32 v3, v4  }
0x114: {  	v4 =	vperm.xlane v3, v0;
	_ =	sdelay $0x1  }
0x115: {  	v3 =	vperm.xlane v3, v2;
	v4 =	vadd.s32 v1, v4;
	_ =	sdelay $0x1  }
0x116: {  	v3 =	vadd.s32 v1, v3;
	_ =	sdelay $0x2  }
0x117: {  	[tilespmem:s18], [sflag:$0x3] =	stream.indirect_vreg.gather [hbm4b:s3+s2], $0x80, v4, vm0, $0xb8;
	[tilespmem:$0x18180] =	vst v63  }
0x118: {  	_ = 	snop  }
0x119: {  	[tilespmem:s19], [sflag:$0x3] =	stream.indirect_vreg.gather [hbm4b:s3+s2], $0x80, v3, vm0, $0xb8;
	[tilespmem:$0x18180] =	vst v63  }
0x11a: {  	v3 =	vld [tilespmem:$0x150];
	_ =	sdelay $0x4  }
0x11b: {  	v61 =	vshll.u32 v3, $0x1  }
0x11c: {  	v3 =	vand.u32 $0x7, v3;
	v4 =	vand.u32 $0xFFFFFFF0, v61  }
0x11d: {  	v3 =	vor.u32 v3, v4  }
0x11e: {  	v4 =	vperm.xlane v3, v0;
	_ =	sdelay $0x1  }
0x11f: {  	v3 =	vperm.xlane v3, v2;
	v4 =	vadd.s32 v1, v4;
	_ =	sdelay $0x1  }
0x120: {  	v3 =	vadd.s32 v1, v3;
	_ =	sdelay $0x2  }
0x121: {  	[tilespmem:s20], [sflag:$0x3] =	stream.indirect_vreg.gather [hbm4b:s3+s2], $0x80, v4, vm0, $0xb8;
	[tilespmem:$0x18180] =	vst v63  }
0x122: {  	_ = 	snop  }
0x123: {  	[tilespmem:s21], [sflag:$0x3] =	stream.indirect_vreg.gather [hbm4b:s3+s2], $0x80, v3, vm0, $0xb8;
	[tilespmem:$0x18180] =	vst v63  }
0x124: {  	v3 =	vld [tilespmem:$0x160];
	_ =	sdelay $0x4  }
0x125: {  	v62 =	vshll.u32 v3, $0x1  }
0x126: {  	v3 =	vand.u32 $0x7, v3;
	v4 =	vand.u32 $0xFFFFFFF0, v62  }
0x127: {  	v3 =	vor.u32 v3, v4  }
0x128: {  	v4 =	vperm.xlane v3, v0;
	_ =	sdelay $0x1  }
0x129: {  	v3 =	vperm.xlane v3, v2;
	v4 =	vadd.s32 v1, v4;
	_ =	sdelay $0x1  }
0x12a: {  	v3 =	vadd.s32 v1, v3;
	_ =	sdelay $0x2  }
0x12b: {  	[tilespmem:s22], [sflag:$0x3] =	stream.indirect_vreg.gather [hbm4b:s3+s2], $0x80, v4, vm0, $0xb8;
	[tilespmem:$0x18180] =	vst v63  }
0x12c: {  	_ = 	snop  }
0x12d: {  	[tilespmem:s23], [sflag:$0x3] =	stream.indirect_vreg.gather [hbm4b:s3+s2], $0x80, v3, vm0, $0xb8;
	[tilespmem:$0x18180] =	vst v63  }
0x12e: {  	v3 =	vld [tilespmem:$0x170];
	_ =	sdelay $0x4  }
0x12f: {  	v63 =	vshll.u32 v3, $0x1  }
0x130: {  	v3 =	vand.u32 $0x7, v3;
	v4 =	vand.u32 $0xFFFFFFF0, v63  }
0x131: {  	v3 =	vor.u32 v3, v4  }
0x132: {  	v4 =	vperm.xlane v3, v0;
	_ =	sdelay $0x1  }
0x133: {  	v3 =	vperm.xlane v3, v2;
	v4 =	vadd.s32 v1, v4;
	_ =	sdelay $0x1  }
0x134: {  	v3 =	vadd.s32 v1, v3;
	_ =	sdelay $0x2  }
0x135: {  	[tilespmem:s24], [sflag:$0x3] =	stream.indirect_vreg.gather [hbm4b:s3+s2], $0x80, v4, vm0, $0xb8;
	[tilespmem:$0x18180] =	vst v63  }
0x136: {  	_ = 	snop  }
0x137: {  	[tilespmem:s25], [sflag:$0x3] =	stream.indirect_vreg.gather [hbm4b:s3+s2], $0x80, v3, vm0, $0xb8;
	[tilespmem:$0x18180] =	vst v63  }
0x138: {  	_ =	swait.ge [sflag:s26], $0x8000  }
0x139: {  	[sflag:s26] =	ssyncset.done $0x0  }
0x13a: {  	s9 =	rddreg [dreg:$0x6];
	[sflag:s26] =	ssyncadd.s32 $0xFFFF8000  }
0x13b: {  	[hbm4b:s9+s2] =	stream.linear.scatter [tilespmem:s6], [sflag:$0x4], $0x8000, $0x38;
	[tilespmem:$0x18180] =	vst v63  }
0x13c: {  	_ =	swait.ge [sflag:s28], $0x8000  }
0x13d: {  	[sflag:s28] =	ssyncset.done $0x0  }
0x13e: {  	s8 =	rddreg [dreg:$0x7];
	[sflag:s28] =	ssyncadd.s32 $0xFFFF8000  }
0x13f: {  	[hbm4b:s8+s2] =	stream.linear.scatter [tilespmem:s7], [sflag:$0x5], $0x8000, $0x38;
	[tilespmem:$0x18180] =	vst v63  }
0x140: {  	_ =	swait.ge [sflag:s29], $0x8000  }
0x141: {  	[sflag:s29] =	ssyncset.done $0x0  }
0x142: {  	s9 =	rddreg [dreg:$0x8];
	[sflag:s29] =	ssyncadd.s32 $0xFFFF8000  }
0x143: {  	[hbm4b:s9+s2] =	stream.linear.scatter [tilespmem:s10], [sflag:$0x6], $0x8000, $0x38;
	[tilespmem:$0x18180] =	vst v63  }
0x144: {  	_ =	swait.ge [sflag:s30], $0x8000  }
0x145: {  	[sflag:s30] =	ssyncset.done $0x0  }
0x146: {  	[sflag:s30] =	ssyncadd.s32 $0xFFFF8000  }
0x147: {  	p0 =	sne.s32 s4, $0x1;
	_ =	swait.ge [sflag:s31], $0x8000  }
.Ltmp0:
0x148: {  	[sflag:s31] =	ssyncset.done $0x0;
	(pc) =	sbr.rel @p0 .LBB2_1-.Ltmp0, $4  }
0x149: {  	[sflag:s31] =	ssyncadd.s32 $0xFFFF8000  }
0x14a: {  	_ =	swait.ge [sflag:s1], $0x8000  }
0x14b: {  	[sflag:s1] =	ssyncset.done $0x0  }
0x14c: {  	s4 =	sadd.s32 $0xFFFFFFFF, s4;
	[sflag:s1] =	ssyncadd.s32 $0xFFFF8000  }
0x14d: {  	_ =	sfence.sel $0x180000  }
0x14e: {  	[bflag:$0x0] =	sbarrier.arrive $0xFFFF  }
0x14f: {  	_ =	strace $0x90000047  }
0x150: {  	s0 =	stileid.u32;
	[bflag:$0x2] =	sbarrier.arrive $0xFFFF  }
0x151: {  	p0 =	sne.s32 s0, $0x0;
	s0 =	rddreg [dreg:$0x2]  }
0x152: {  	s0 =	sadd.s32 @!p0 $0x100000, s0  }
0x153: {  	[sflag:s0] =	ssyncadd.tile.s32 @!p0 $0x1;
	_ =	shalt  }
.Lfunc_end2:
_tile_overlayer_lowered:
.L_overlay_start_2:
0x154: {  	(tag) =	ssettag $0x2  }
0x155: {  	s0 =	rddreg [dreg:$0x0];
	s2 =	stileid.u32  }
0x156: {  	s1 =	rddreg [dreg:$0x1];
	p0 =	sne.s32 s2, $0x0  }
0x157: {  	s3 =	rddreg [dreg:$0x2];
	[bflag:$0x3] =	sbarrier.arrive $0xFFFF;
	s2 =	simm.s32 @!p0 $0x1C07  }
0x158: {  	[timem:s3], [sflag:s2] =	dma.local @!p0 [hbm:s0], s1  }
0x159: {  	s0 =	simm.s32 @!p0 $0x7  }
0x15a: {  	_ =	swait.ge @!p0 [sflag:s0], s1  }
0x15b: {  	s1 =	ssub.s32 @!p0 $0x0, s1;
	[sflag:s0] =	ssyncset.done @!p0 $0x0  }
0x15c: {  	[sflag:s0] =	ssyncadd.s32 @!p0 s1  }
0x15d: {  	[bflag:$0x3] =	sbarrier.arrive $0xFFFF  }
0x15e: {  	_ =	shalt  }

</sc_bundles>
